<compile_context>
chip_gen: v7x
topology: tpu7x:2x2x1
jax: 0.10.2.dev20260603
libtpu: 0.0.44.dev20260713+nightly
codegen_flags: <defaults>
</compile_context>

<pallas_src>
import functools

import jax
import jax.numpy as jnp
from jax import lax
from jax.experimental import pallas as pl
from jax.experimental.pallas import tpu as pltpu
from jax.experimental.pallas import tpu_sc as plsc

WS = 9
KK = 8
H = 256
W = 256
T = 4
C = 3
NW = 32
QG = 16
THIRD = 86
NP = 3
OCH = 4

_SORT9 = ((0, 3), (1, 7), (2, 5), (4, 8),
          (0, 7), (2, 4), (3, 8), (5, 6),
          (0, 2), (1, 3), (4, 5), (7, 8),
          (1, 4), (3, 6), (5, 7),
          (0, 1), (2, 4), (3, 5), (6, 8),
          (2, 3), (4, 5), (6, 7),
          (1, 2), (3, 4), (5, 6))
_BITONIC8 = ((0, 4), (1, 5), (2, 6), (3, 7),
             (0, 2), (1, 3), (4, 6), (5, 7),
             (0, 1), (2, 3), (4, 5), (6, 7))


@functools.partial(jax.jit, static_argnames=("dt", "row0", "nrows"))
def _sc_align_t(f0t, nbt, bit, bjt, dt, row0, nrows):
    qrows = nrows // NW
    ng = qrows * W // QG
    ogrp = ng // OCH
    owords = (qrows // OCH) * W * KK * 3
    mesh = plsc.VectorSubcoreMesh(core_axis_name="c", subcore_axis_name="s")

    @functools.partial(
        pl.kernel,
        out_type=jax.ShapeDtypeStruct((nrows * W * KK * 3,), jnp.float32),
        mesh=mesh,
        compiler_params=pltpu.CompilerParams(needs_layout_passes=False),
        scratch_types=[
            pltpu.VMEM((THIRD * W,), jnp.float32),
            pltpu.VMEM((THIRD * W,), jnp.float32),
            pltpu.VMEM((THIRD * W,), jnp.float32),
            pltpu.VMEM((qrows * W,), jnp.float32),
            pltpu.VMEM((qrows * W,), jnp.float32),
            pltpu.VMEM((qrows * W,), jnp.float32),
            pltpu.VMEM((qrows * W,), jnp.int32),
            pltpu.VMEM((qrows * W,), jnp.int32),
            pltpu.VMEM((ng * KK * QG,), jnp.float32),
            pltpu.VMEM((ng * KK * QG,), jnp.int32),
            pltpu.VMEM((owords,), jnp.float32),
        ],
    )
    def k(f0_h, nb_h, bi_h, bj_h, out_h, fr0_v, fr1_v, fr2_v, q0_v,
          q1_v, q2_v, bi_v, bj_v, bd_v, bs_v, ob_v):
        cid = lax.axis_index("c")
        sid = lax.axis_index("s")
        wid = sid * 2 + cid
        qrow0 = row0 + wid * qrows
        inf_v = jnp.full((QG,), jnp.inf, jnp.float32)
        zero_i = jnp.zeros((QG,), jnp.int32)
        lanes = lax.iota(jnp.int32, QG)

        for c, qc_v in enumerate((q0_v, q1_v, q2_v)):
            pltpu.sync_copy(
                f0_h.at[pl.ds(c * (H * W) + qrow0 * W, qrows * W)], qc_v)
        pltpu.sync_copy(bi_h.at[pl.ds(qrow0 * W, qrows * W)], bi_v)
        pltpu.sync_copy(bj_h.at[pl.ds(qrow0 * W, qrows * W)], bj_v)

        def p_body(p, _1):
            lo = p * THIRD
            hi = jnp.where(p == NP - 1, H, lo + THIRD)
            r0 = jnp.where(p == NP - 1, H - THIRD, lo)
            for c, fc_v in enumerate((fr0_v, fr1_v, fr2_v)):
                pltpu.sync_copy(
                    nb_h.at[pl.ds(c * (H * W) + r0 * W, THIRD * W)], fc_v)

            def g_body(g, _2):
                qb = g * QG
                biv0 = bi_v[pl.ds(qb, QG)]
                tv = jnp.clip(biv0 + (WS // 2), 0, H - 1)
                bv = jnp.clip(biv0 - (WS // 2), 0, H - 1)
                nact = plsc.all_reduce_population_count(
                    (tv >= lo) & (bv < hi))
                nbefore = plsc.all_reduce_population_count(bv < lo)

                @pl.when(nact[0] != 0)
                def _run():
                    first = nbefore[0] == 0
                    biv = bi_v[pl.ds(qb, QG)]
                    bjv = bj_v[pl.ds(qb, QG)]
                    q0 = q0_v[pl.ds(qb, QG)]
                    q1 = q1_v[pl.ds(qb, QG)]
                    q2 = q2_v[pl.ds(qb, QG)]

                    bd = tuple(
                        jnp.where(first, inf_v,
                                  bd_v[pl.ds((g * KK + kq) * QG, QG)])
                        for kq in range(KK))
                    bs = tuple(
                        jnp.where(first, zero_i,
                                  bs_v[pl.ds((g * KK + kq) * QG, QG)])
                        for kq in range(KK))

                    def oi_body(ii, car):
                        cbd, cbs = car
                        cbd = list(cbd)
                        cbs = list(cbs)
                        ci = jnp.clip(biv + (ii - WS // 2), 0, H - 1)
                        inr = (ci >= lo) & (ci < hi)
                        cb = jnp.where(inr, ci - r0, 0) << 8
                        nd = []
                        ns = []
                        for oj in range(WS):
                            cj = jnp.clip(bjv + (oj - WS // 2), 0, W - 1)
                            idx = cb + cj
                            g0 = plsc.load_gather(fr0_v, [idx])
                            g1 = plsc.load_gather(fr1_v, [idx])
                            g2 = plsc.load_gather(fr2_v, [idx])
                            s0 = q0 - g0
                            s1 = q1 - g1
                            s2 = q2 - g2
                            d = s0 * s0 + s1 * s1
                            d = d + s2 * s2
                            nd.append(jnp.where(inr, d, jnp.inf))
                            ns.append(zero_i + (ii * WS + oj))
                        for (i, j) in _SORT9:
                            m = nd[j] < nd[i]
                            lo_d = jnp.where(m, nd[j], nd[i])
                            hi_d = jnp.where(m, nd[i], nd[j])
                            lo_s = jnp.where(m, ns[j], ns[i])
                            hi_s = jnp.where(m, ns[i], ns[j])
                            nd[i], nd[j] = lo_d, hi_d
                            ns[i], ns[j] = lo_s, hi_s
                        for i in range(KK):
                            m = nd[7 - i] < cbd[i]
                            cbd[i] = jnp.where(m, nd[7 - i], cbd[i])
                            cbs[i] = jnp.where(m, ns[7 - i], cbs[i])
                        for (i, j) in _BITONIC8:
                            m = cbd[j] < cbd[i]
                            lo_d = jnp.where(m, cbd[j], cbd[i])
                            hi_d = jnp.where(m, cbd[i], cbd[j])
                            lo_s = jnp.where(m, cbs[j], cbs[i])
                            hi_s = jnp.where(m, cbs[i], cbs[j])
                            cbd[i], cbd[j] = lo_d, hi_d
                            cbs[i], cbs[j] = lo_s, hi_s
                        return (tuple(cbd), tuple(cbs))

                    bd, bs = lax.fori_loop(0, WS, oi_body, (bd, bs))
                    for kq in range(KK):
                        bd_v[pl.ds((g * KK + kq) * QG, QG)] = bd[kq]
                        bs_v[pl.ds((g * KK + kq) * QG, QG)] = bs[kq]

                return 0

            lax.fori_loop(0, ng, g_body, 0)
            return 0

        lax.fori_loop(0, NP, p_body, 0)

        dt_v = jnp.full((QG,), float(dt), jnp.float32)
        lane3k = lanes * (KK * 3)

        def chunk_body(cu, _1):
            def og_body(gg, _2):
                g = cu * ogrp + gg
                qb = g * QG
                biv = bi_v[pl.ds(qb, QG)]
                bjv = bj_v[pl.ds(qb, QG)]
                irow = qrow0 + (g >> 4)
                jv = ((g & 15) * QG) + lanes
                base = gg * QG * (KK * 3)
                for kq in range(KK):
                    s = bs_v[pl.ds((g * KK + kq) * QG, QG)]
                    qoi = (s * 7282) >> 16
                    ojj = s - qoi * WS
                    ci = jnp.clip(biv + (qoi - WS // 2), 0, H - 1)
                    cj = jnp.clip(bjv + (ojj - WS // 2), 0, W - 1)
                    dh = (ci - irow).astype(jnp.float32)
                    dw = (cj - jv).astype(jnp.float32)
                    idx0 = lane3k + (base + kq * 3)
                    plsc.store_scatter(ob_v, [idx0], dt_v)
                    plsc.store_scatter(ob_v, [idx0 + 1], dw)
                    plsc.store_scatter(ob_v, [idx0 + 2], dh)
                return 0

            lax.fori_loop(0, ogrp, og_body, 0)
            off = (((qrow0 - row0) + cu * (qrows // OCH)) * W) * (KK * 3)
            pltpu.sync_copy(ob_v, out_h.at[pl.ds(off, owords)])
            return 0

        lax.fori_loop(0, OCH, chunk_body, 0)

    return k(f0t, nbt, bit, bjt)


def kernel(vid, flows):
    assert vid.shape == (1, T, C, H, W), vid.shape
    f0 = vid[0].reshape(T, C * H * W)
    nb = jnp.stack([vid[0, 1], vid[0, 2], vid[0, 3], vid[0, 2]])
    nb = nb.reshape(T, C * H * W)
    fl = flows[0, :, 0]
    gi = jnp.arange(H, dtype=fl.dtype)[None, :, None]
    gj = jnp.arange(W, dtype=fl.dtype)[None, None, :]
    bi = jnp.clip(gi + jnp.round(fl[:, 0]), 0, H - 1).astype(jnp.int32)
    bj = jnp.clip(gj + jnp.round(fl[:, 1]), 0, W - 1).astype(jnp.int32)
    bi = bi.reshape(T, H * W)
    bj = bj.reshape(T, H * W)
    tparts = []
    for t in range(T):
        dt = 1 if t < T - 1 else -1
        pf = _sc_align_t(f0[t], nb[t], bi[t], bj[t], dt=dt, row0=0, nrows=H)
        tparts.append(pf.reshape(1, 1, 1, H, W, KK, 3))
    return jnp.concatenate(tparts, axis=2)

# --- scband reference (transcript-rebuilt; emitter-appended) ---
"""Pipeline reference for scband-align-model-65601330479596 (READ-ONLY COPY).

The authoritative reference and input builder live on the scoring server;
editing this copy changes nothing except your own understanding.
"""

import jax, jax.numpy as jnp
import numpy as np

WS = 9   # cfg.ws search window
K = 8    # cfg.k neighbors returned


def _clamp_flow(flow, H, W):
    # Emulates self.bounds: a paired search with ws=1, wr=1, ps=1 which simply
    # snaps the (rounded) flow-shifted location into the valid image bounds and
    # returns the resulting in-bounds flow offsets.
    gi = jnp.arange(H, dtype=flow.dtype)[:, None]
    gj = jnp.arange(W, dtype=flow.dtype)[None, :]
    ci = jnp.clip(gi + jnp.round(flow[0]), 0, H - 1)
    cj = jnp.clip(gj + jnp.round(flow[1]), 0, W - 1)
    return jnp.stack([ci - gi, cj - gj], axis=0)


def _paired_search(f0, f1, flow, dt):
    # stnls-style paired patch search with ps=1: for every pixel in f0, gather a
    # ws x ws candidate window in f1 centered at the flow-shifted location,
    # compute L2 patch distances, and return the top-K flow offsets (dt, dh, dw).
    C, H, W = f0.shape
    gi = jnp.arange(H)[:, None, None]
    gj = jnp.arange(W)[None, :, None]
    off = jnp.arange(WS) - WS // 2
    oi, oj = jnp.meshgrid(off, off, indexing='ij')
    oi = oi.reshape(-1)[None, None, :]
    oj = oj.reshape(-1)[None, None, :]
    fi = jnp.round(flow[0])[:, :, None]
    fj = jnp.round(flow[1])[:, :, None]
    ci = jnp.clip(gi + fi + oi, 0, H - 1).astype(jnp.int32)
    cj = jnp.clip(gj + fj + oj, 0, W - 1).astype(jnp.int32)
    lin = (ci * W + cj).reshape(-1)
    g = jnp.take(f1.reshape(C, H * W), lin, axis=1).reshape(C, H, W, WS * WS)
    d = jnp.sum((f0[:, :, :, None] - g) ** 2, axis=0)  # [H, W, ws*ws]
    _, idx = jax.lax.top_k(-d, K)                      # K nearest (smallest dist)
    dh = jnp.take_along_axis(ci - gi, idx, axis=-1).astype(jnp.float32)
    dw = jnp.take_along_axis(cj - gj, idx, axis=-1).astype(jnp.float32)
    dts = jnp.full_like(dh, float(dt))
    return jnp.stack([dts, dh, dw], axis=-1)           # [H, W, K, 3]


def _forward(vid, flows):
    B, T, C, H, W = vid.shape
    outs_b = []
    for b in range(B):
        outs_t = []
        for t in range(T):
            other = t + 1 if t < T - 1 else t - 1  # wt=1, skip_self=True
            dt = other - t
            fl = _clamp_flow(flows[b, t, 0], H, W)  # bounds (ws=1,wr=1,ps=1) pass
            outs_t.append(_paired_search(vid[b, t], vid[b, other], fl, dt))
        outs_b.append(jnp.stack(outs_t, axis=0))
    fk = jnp.stack(outs_b, axis=0)[:, None]  # [B, 1(heads), T, H, W, K, 3]
    # align_type == 'stnls': flows_k[..., 1:] = flows_k[..., 1:].flip(-1)
    fk = jnp.concatenate([fk[..., :1], fk[..., 1:][..., ::-1]], axis=-1)
    return fk


def setup_inputs(seed: int = 0):
    key = jax.random.key(seed)
    k1, k2 = jax.random.split(key)
    vid = jax.random.normal(k1, (1, 4, 3, 256, 256), dtype=jnp.float32)
    flows = jax.random.normal(k2, (1, 4, 1, 2, 256, 256), dtype=jnp.float32) * 4.0
    return {"vid": vid, "flows": flows}


def reference(vid, flows):
    return _forward(vid, flows)

if __name__ == "__main__":
    import jax
    _d = setup_inputs()
    print(jax.jit(kernel)(*tuple(_d.values())))

</pallas_src>

<mosaic_0001>
#map = affine_map<(d0, d1) -> (0)>
module attributes {stable_mosaic.version = 14 : i64} {
  func.func @k(%arg0: i32, %arg1: i32, %arg2: memref<196608xf32, #tpu.memory_space<hbm>>, %arg3: memref<196608xf32, #tpu.memory_space<hbm>>, %arg4: memref<65536xi32, #tpu.memory_space<hbm>>, %arg5: memref<65536xi32, #tpu.memory_space<hbm>>, %arg6: memref<1572864xf32, #tpu.memory_space<hbm>>, %arg7: memref<22016xf32, #tpu.memory_space<vmem>>, %arg8: memref<22016xf32, #tpu.memory_space<vmem>>, %arg9: memref<22016xf32, #tpu.memory_space<vmem>>, %arg10: memref<2048xf32, #tpu.memory_space<vmem>>, %arg11: memref<2048xf32, #tpu.memory_space<vmem>>, %arg12: memref<2048xf32, #tpu.memory_space<vmem>>, %arg13: memref<2048xi32, #tpu.memory_space<vmem>>, %arg14: memref<2048xi32, #tpu.memory_space<vmem>>, %arg15: memref<16384xf32, #tpu.memory_space<vmem>>, %arg16: memref<16384xi32, #tpu.memory_space<vmem>>, %arg17: memref<12288xf32, #tpu.memory_space<vmem>>) attributes {dimension_semantics = [#tpu.dimension_semantics<core_parallel>, #tpu.dimension_semantics<subcore_parallel>], iteration_bounds = array<i64: 2, 16>, scalar_prefetch = 0 : i64, scratch_operands = 11 : i64, tpu.core_type = #tpu.core_type<sc_vector_subcore>, window_params = [{transform_indices = #map}, {transform_indices = #map}, {transform_indices = #map}, {transform_indices = #map}, {transform_indices = #map}]} {
    %mul3A = arith.constant 2 : i32
    %mul3A_0 = arith.muli %arg1, %mul3A : i32
    %add3A = arith.addi %mul3A_0, %arg0 : i32
    %mul3A_1 = arith.constant 8 : i32
    %mul3A_2 = arith.muli %add3A, %mul3A_1 : i32
    %add3A_3 = arith.constant 0 : i32
    %add3A_4 = arith.addi %add3A_3, %mul3A_2 : i32
    %broadcast_in_dim3A = arith.constant 0x7F800000 : f32
    %broadcast_in_dim3A_5 = vector.broadcast %broadcast_in_dim3A : f32 to vector<16xf32>
    %broadcast_in_dim3A_6 = arith.constant 0 : i32
    %broadcast_in_dim3A_7 = vector.broadcast %broadcast_in_dim3A_6 : i32 to vector<16xi32>
    %iota3A = tpu.iota {dimensions = array<i32: 0>} : vector<16xi32>
    %mul3A_8 = arith.constant 256 : i32
    %mul3A_9 = arith.muli %add3A_4, %mul3A_8 : i32
    %add3A_10 = arith.constant 0 : i32
    %add3A_11 = arith.addi %add3A_10, %mul3A_9 : i32
    "tpu.region"() ({
      %run_scoped3A = tpu.sem_alloc : memref<!tpu.dma_semaphore, #tpu.memory_space<semaphore_mem>>
      %dma_start3A = tpu.memref_slice %arg2[%add3A_11] : memref<196608xf32, #tpu.memory_space<hbm>> -> memref<2048xf32, #tpu.memory_space<hbm>>
      %dma_start3A_42 = tpu.memref_slice %arg2[%add3A_11] : memref<196608xf32, #tpu.memory_space<hbm>> -> memref<2048xf32, #tpu.memory_space<hbm>>
      tpu.enqueue_dma source(%dma_start3A_42 : memref<2048xf32, #tpu.memory_space<hbm>>) target(%arg10 : memref<2048xf32, #tpu.memory_space<vmem>>) target_semaphore(%run_scoped3A : memref<!tpu.dma_semaphore, #tpu.memory_space<semaphore_mem>>)
      %dma_wait3A = tpu.memref_slice %arg2[%add3A_11] : memref<196608xf32, #tpu.memory_space<hbm>> -> memref<2048xf32, #tpu.memory_space<hbm>>
      %dma_wait3A_43 = tpu.memref_slice %arg2[%add3A_11] : memref<196608xf32, #tpu.memory_space<hbm>> -> memref<2048xf32, #tpu.memory_space<hbm>>
      tpu.wait_dma2 semaphore(%run_scoped3A : memref<!tpu.dma_semaphore, #tpu.memory_space<semaphore_mem>>) src(%dma_wait3A_43 : memref<2048xf32, #tpu.memory_space<hbm>>) dst(%arg10 : memref<2048xf32, #tpu.memory_space<vmem>>)
      tpu.yield
    }) : () -> ()
    %mul3A_12 = arith.constant 256 : i32
    %mul3A_13 = arith.muli %add3A_4, %mul3A_12 : i32
    %add3A_14 = arith.constant 65536 : i32
    %add3A_15 = arith.addi %add3A_14, %mul3A_13 : i32
    "tpu.region"() ({
      %run_scoped3A = tpu.sem_alloc : memref<!tpu.dma_semaphore, #tpu.memory_space<semaphore_mem>>
      %dma_start3A = tpu.memref_slice %arg2[%add3A_15] : memref<196608xf32, #tpu.memory_space<hbm>> -> memref<2048xf32, #tpu.memory_space<hbm>>
      %dma_start3A_42 = tpu.memref_slice %arg2[%add3A_15] : memref<196608xf32, #tpu.memory_space<hbm>> -> memref<2048xf32, #tpu.memory_space<hbm>>
      tpu.enqueue_dma source(%dma_start3A_42 : memref<2048xf32, #tpu.memory_space<hbm>>) target(%arg11 : memref<2048xf32, #tpu.memory_space<vmem>>) target_semaphore(%run_scoped3A : memref<!tpu.dma_semaphore, #tpu.memory_space<semaphore_mem>>)
      %dma_wait3A = tpu.memref_slice %arg2[%add3A_15] : memref<196608xf32, #tpu.memory_space<hbm>> -> memref<2048xf32, #tpu.memory_space<hbm>>
      %dma_wait3A_43 = tpu.memref_slice %arg2[%add3A_15] : memref<196608xf32, #tpu.memory_space<hbm>> -> memref<2048xf32, #tpu.memory_space<hbm>>
      tpu.wait_dma2 semaphore(%run_scoped3A : memref<!tpu.dma_semaphore, #tpu.memory_space<semaphore_mem>>) src(%dma_wait3A_43 : memref<2048xf32, #tpu.memory_space<hbm>>) dst(%arg11 : memref<2048xf32, #tpu.memory_space<vmem>>)
      tpu.yield
    }) : () -> ()
    %mul3A_16 = arith.constant 256 : i32
    %mul3A_17 = arith.muli %add3A_4, %mul3A_16 : i32
    %add3A_18 = arith.constant 131072 : i32
    %add3A_19 = arith.addi %add3A_18, %mul3A_17 : i32
    "tpu.region"() ({
      %run_scoped3A = tpu.sem_alloc : memref<!tpu.dma_semaphore, #tpu.memory_space<semaphore_mem>>
      %dma_start3A = tpu.memref_slice %arg2[%add3A_19] : memref<196608xf32, #tpu.memory_space<hbm>> -> memref<2048xf32, #tpu.memory_space<hbm>>
      %dma_start3A_42 = tpu.memref_slice %arg2[%add3A_19] : memref<196608xf32, #tpu.memory_space<hbm>> -> memref<2048xf32, #tpu.memory_space<hbm>>
      tpu.enqueue_dma source(%dma_start3A_42 : memref<2048xf32, #tpu.memory_space<hbm>>) target(%arg12 : memref<2048xf32, #tpu.memory_space<vmem>>) target_semaphore(%run_scoped3A : memref<!tpu.dma_semaphore, #tpu.memory_space<semaphore_mem>>)
      %dma_wait3A = tpu.memref_slice %arg2[%add3A_19] : memref<196608xf32, #tpu.memory_space<hbm>> -> memref<2048xf32, #tpu.memory_space<hbm>>
      %dma_wait3A_43 = tpu.memref_slice %arg2[%add3A_19] : memref<196608xf32, #tpu.memory_space<hbm>> -> memref<2048xf32, #tpu.memory_space<hbm>>
      tpu.wait_dma2 semaphore(%run_scoped3A : memref<!tpu.dma_semaphore, #tpu.memory_space<semaphore_mem>>) src(%dma_wait3A_43 : memref<2048xf32, #tpu.memory_space<hbm>>) dst(%arg12 : memref<2048xf32, #tpu.memory_space<vmem>>)
      tpu.yield
    }) : () -> ()
    %mul3A_20 = arith.constant 256 : i32
    %mul3A_21 = arith.muli %add3A_4, %mul3A_20 : i32
    "tpu.region"() ({
      %run_scoped3A = tpu.sem_alloc : memref<!tpu.dma_semaphore, #tpu.memory_space<semaphore_mem>>
      %dma_start3A = tpu.memref_slice %arg4[%mul3A_21] : memref<65536xi32, #tpu.memory_space<hbm>> -> memref<2048xi32, #tpu.memory_space<hbm>>
      %dma_start3A_42 = tpu.memref_slice %arg4[%mul3A_21] : memref<65536xi32, #tpu.memory_space<hbm>> -> memref<2048xi32, #tpu.memory_space<hbm>>
      tpu.enqueue_dma source(%dma_start3A_42 : memref<2048xi32, #tpu.memory_space<hbm>>) target(%arg13 : memref<2048xi32, #tpu.memory_space<vmem>>) target_semaphore(%run_scoped3A : memref<!tpu.dma_semaphore, #tpu.memory_space<semaphore_mem>>)
      %dma_wait3A = tpu.memref_slice %arg4[%mul3A_21] : memref<65536xi32, #tpu.memory_space<hbm>> -> memref<2048xi32, #tpu.memory_space<hbm>>
      %dma_wait3A_43 = tpu.memref_slice %arg4[%mul3A_21] : memref<65536xi32, #tpu.memory_space<hbm>> -> memref<2048xi32, #tpu.memory_space<hbm>>
      tpu.wait_dma2 semaphore(%run_scoped3A : memref<!tpu.dma_semaphore, #tpu.memory_space<semaphore_mem>>) src(%dma_wait3A_43 : memref<2048xi32, #tpu.memory_space<hbm>>) dst(%arg13 : memref<2048xi32, #tpu.memory_space<vmem>>)
      tpu.yield
    }) : () -> ()
    %mul3A_22 = arith.constant 256 : i32
    %mul3A_23 = arith.muli %add3A_4, %mul3A_22 : i32
    "tpu.region"() ({
      %run_scoped3A = tpu.sem_alloc : memref<!tpu.dma_semaphore, #tpu.memory_space<semaphore_mem>>
      %dma_start3A = tpu.memref_slice %arg5[%mul3A_23] : memref<65536xi32, #tpu.memory_space<hbm>> -> memref<2048xi32, #tpu.memory_space<hbm>>
      %dma_start3A_42 = tpu.memref_slice %arg5[%mul3A_23] : memref<65536xi32, #tpu.memory_space<hbm>> -> memref<2048xi32, #tpu.memory_space<hbm>>
      tpu.enqueue_dma source(%dma_start3A_42 : memref<2048xi32, #tpu.memory_space<hbm>>) target(%arg14 : memref<2048xi32, #tpu.memory_space<vmem>>) target_semaphore(%run_scoped3A : memref<!tpu.dma_semaphore, #tpu.memory_space<semaphore_mem>>)
      %dma_wait3A = tpu.memref_slice %arg5[%mul3A_23] : memref<65536xi32, #tpu.memory_space<hbm>> -> memref<2048xi32, #tpu.memory_space<hbm>>
      %dma_wait3A_43 = tpu.memref_slice %arg5[%mul3A_23] : memref<65536xi32, #tpu.memory_space<hbm>> -> memref<2048xi32, #tpu.memory_space<hbm>>
      tpu.wait_dma2 semaphore(%run_scoped3A : memref<!tpu.dma_semaphore, #tpu.memory_space<semaphore_mem>>) src(%dma_wait3A_43 : memref<2048xi32, #tpu.memory_space<hbm>>) dst(%arg14 : memref<2048xi32, #tpu.memory_space<vmem>>)
      tpu.yield
    }) : () -> ()
    %scan3A = arith.constant 0 : i32
    %scan3A_24 = arith.constant 0 : i32
    %scan3A_25 = arith.constant 3 : i32
    %scan3A_26 = arith.addi %scan3A_24, %scan3A_25 : i32
    %scan3A_27 = arith.constant 1 : i32
    %scan3A_28 = scf.for %scan3A_42 = %scan3A_24 to %scan3A_26 step %scan3A_27 iter_args(%scan3A_43 = %scan3A) -> (i32)  : i32 {
      %mul3A_44 = arith.constant 86 : i32
      %mul3A_45 = arith.muli %scan3A_42, %mul3A_44 : i32
      %eq3A = arith.constant 2 : i32
      %eq3A_46 = arith.cmpi eq, %scan3A_42, %eq3A : i32
      %add3A_47 = arith.constant 86 : i32
      %add3A_48 = arith.addi %mul3A_45, %add3A_47 : i32
      %jit3A = arith.constant 256 : i32
      %select_n3A = arith.select %eq3A_46, %jit3A, %add3A_48 : i32
      %eq3A_49 = arith.constant 2 : i32
      %eq3A_50 = arith.cmpi eq, %scan3A_42, %eq3A_49 : i32
      %jit3A_51 = arith.constant 170 : i32
      %select_n3A_52 = arith.select %eq3A_50, %jit3A_51, %mul3A_45 : i32
      %mul3A_53 = arith.constant 256 : i32
      %mul3A_54 = arith.muli %select_n3A_52, %mul3A_53 : i32
      %add3A_55 = arith.constant 0 : i32
      %add3A_56 = arith.addi %add3A_55, %mul3A_54 : i32
      "tpu.region"() ({
        %run_scoped3A = tpu.sem_alloc : memref<!tpu.dma_semaphore, #tpu.memory_space<semaphore_mem>>
        %dma_start3A = tpu.memref_slice %arg3[%add3A_56] : memref<196608xf32, #tpu.memory_space<hbm>> -> memref<22016xf32, #tpu.memory_space<hbm>>
        %dma_start3A_73 = tpu.memref_slice %arg3[%add3A_56] : memref<196608xf32, #tpu.memory_space<hbm>> -> memref<22016xf32, #tpu.memory_space<hbm>>
        tpu.enqueue_dma source(%dma_start3A_73 : memref<22016xf32, #tpu.memory_space<hbm>>) target(%arg7 : memref<22016xf32, #tpu.memory_space<vmem>>) target_semaphore(%run_scoped3A : memref<!tpu.dma_semaphore, #tpu.memory_space<semaphore_mem>>)
        %dma_wait3A = tpu.memref_slice %arg3[%add3A_56] : memref<196608xf32, #tpu.memory_space<hbm>> -> memref<22016xf32, #tpu.memory_space<hbm>>
        %dma_wait3A_74 = tpu.memref_slice %arg3[%add3A_56] : memref<196608xf32, #tpu.memory_space<hbm>> -> memref<22016xf32, #tpu.memory_space<hbm>>
        tpu.wait_dma2 semaphore(%run_scoped3A : memref<!tpu.dma_semaphore, #tpu.memory_space<semaphore_mem>>) src(%dma_wait3A_74 : memref<22016xf32, #tpu.memory_space<hbm>>) dst(%arg7 : memref<22016xf32, #tpu.memory_space<vmem>>)
        tpu.yield
      }) : () -> ()
      %mul3A_57 = arith.constant 256 : i32
      %mul3A_58 = arith.muli %select_n3A_52, %mul3A_57 : i32
      %add3A_59 = arith.constant 65536 : i32
      %add3A_60 = arith.addi %add3A_59, %mul3A_58 : i32
      "tpu.region"() ({
        %run_scoped3A = tpu.sem_alloc : memref<!tpu.dma_semaphore, #tpu.memory_space<semaphore_mem>>
        %dma_start3A = tpu.memref_slice %arg3[%add3A_60] : memref<196608xf32, #tpu.memory_space<hbm>> -> memref<22016xf32, #tpu.memory_space<hbm>>
        %dma_start3A_73 = tpu.memref_slice %arg3[%add3A_60] : memref<196608xf32, #tpu.memory_space<hbm>> -> memref<22016xf32, #tpu.memory_space<hbm>>
        tpu.enqueue_dma source(%dma_start3A_73 : memref<22016xf32, #tpu.memory_space<hbm>>) target(%arg8 : memref<22016xf32, #tpu.memory_space<vmem>>) target_semaphore(%run_scoped3A : memref<!tpu.dma_semaphore, #tpu.memory_space<semaphore_mem>>)
        %dma_wait3A = tpu.memref_slice %arg3[%add3A_60] : memref<196608xf32, #tpu.memory_space<hbm>> -> memref<22016xf32, #tpu.memory_space<hbm>>
        %dma_wait3A_74 = tpu.memref_slice %arg3[%add3A_60] : memref<196608xf32, #tpu.memory_space<hbm>> -> memref<22016xf32, #tpu.memory_space<hbm>>
        tpu.wait_dma2 semaphore(%run_scoped3A : memref<!tpu.dma_semaphore, #tpu.memory_space<semaphore_mem>>) src(%dma_wait3A_74 : memref<22016xf32, #tpu.memory_space<hbm>>) dst(%arg8 : memref<22016xf32, #tpu.memory_space<vmem>>)
        tpu.yield
      }) : () -> ()
      %mul3A_61 = arith.constant 256 : i32
      %mul3A_62 = arith.muli %select_n3A_52, %mul3A_61 : i32
      %add3A_63 = arith.constant 131072 : i32
      %add3A_64 = arith.addi %add3A_63, %mul3A_62 : i32
      "tpu.region"() ({
        %run_scoped3A = tpu.sem_alloc : memref<!tpu.dma_semaphore, #tpu.memory_space<semaphore_mem>>
        %dma_start3A = tpu.memref_slice %arg3[%add3A_64] : memref<196608xf32, #tpu.memory_space<hbm>> -> memref<22016xf32, #tpu.memory_space<hbm>>
        %dma_start3A_73 = tpu.memref_slice %arg3[%add3A_64] : memref<196608xf32, #tpu.memory_space<hbm>> -> memref<22016xf32, #tpu.memory_space<hbm>>
        tpu.enqueue_dma source(%dma_start3A_73 : memref<22016xf32, #tpu.memory_space<hbm>>) target(%arg9 : memref<22016xf32, #tpu.memory_space<vmem>>) target_semaphore(%run_scoped3A : memref<!tpu.dma_semaphore, #tpu.memory_space<semaphore_mem>>)
        %dma_wait3A = tpu.memref_slice %arg3[%add3A_64] : memref<196608xf32, #tpu.memory_space<hbm>> -> memref<22016xf32, #tpu.memory_space<hbm>>
        %dma_wait3A_74 = tpu.memref_slice %arg3[%add3A_64] : memref<196608xf32, #tpu.memory_space<hbm>> -> memref<22016xf32, #tpu.memory_space<hbm>>
        tpu.wait_dma2 semaphore(%run_scoped3A : memref<!tpu.dma_semaphore, #tpu.memory_space<semaphore_mem>>) src(%dma_wait3A_74 : memref<22016xf32, #tpu.memory_space<hbm>>) dst(%arg9 : memref<22016xf32, #tpu.memory_space<vmem>>)
        tpu.yield
      }) : () -> ()
      %scan3A_65 = arith.constant 0 : i32
      %scan3A_66 = arith.constant 0 : i32
      %scan3A_67 = arith.constant 128 : i32
      %scan3A_68 = arith.addi %scan3A_66, %scan3A_67 : i32
      %scan3A_69 = arith.constant 1 : i32
      %scan3A_70 = scf.for %scan3A_73 = %scan3A_66 to %scan3A_68 step %scan3A_69 iter_args(%scan3A_74 = %scan3A_65) -> (i32)  : i32 {
        %mul3A_75 = arith.constant 16 : i32
        %mul3A_76 = arith.muli %scan3A_73, %mul3A_75 : i32
        %get3A = arith.index_cast %mul3A_76 : i32 to index
        %get3A_77 = tpu.vector_load %arg13[%get3A] {strides = array<i32>} : memref<2048xi32, #tpu.memory_space<vmem>>, vector<16xi32>,
        %add3A_78 = arith.constant 4 : i32
        %add3A_79 = vector.broadcast %add3A_78 : i32 to vector<16xi32>
        %add3A_80 = arith.addi %get3A_77, %add3A_79 : vector<16xi32>
        %jit3A_81 = arith.constant 0 : i32
        %jit3A_82 = arith.constant 255 : i32
        %max3A = vector.broadcast %jit3A_81 : i32 to vector<16xi32>
        %max3A_83 = arith.maxsi %max3A, %add3A_80 : vector<16xi32>
        %min3A = vector.broadcast %jit3A_82 : i32 to vector<16xi32>
        %min3A_84 = arith.minsi %min3A, %max3A_83 : vector<16xi32>
        %sub3A = arith.constant 4 : i32
        %sub3A_85 = vector.broadcast %sub3A : i32 to vector<16xi32>
        %sub3A_86 = arith.subi %get3A_77, %sub3A_85 : vector<16xi32>
        %jit3A_87 = arith.constant 0 : i32
        %jit3A_88 = arith.constant 255 : i32
        %max3A_89 = vector.broadcast %jit3A_87 : i32 to vector<16xi32>
        %max3A_90 = arith.maxsi %max3A_89, %sub3A_86 : vector<16xi32>
        %min3A_91 = vector.broadcast %jit3A_88 : i32 to vector<16xi32>
        %min3A_92 = arith.minsi %min3A_91, %max3A_90 : vector<16xi32>
        %ge3A = vector.broadcast %mul3A_45 : i32 to vector<16xi32>
        %ge3A_93 = arith.cmpi sge, %min3A_84, %ge3A : vector<16xi32>
        %lt3A = vector.broadcast %select_n3A : i32 to vector<16xi32>
        %lt3A_94 = arith.cmpi slt, %min3A_92, %lt3A : vector<16xi32>
        %and3A = arith.andi %ge3A_93, %lt3A_94 : vector<16xi1>
        %all_reduce_population_count3A = tpu.all_reduce %and3A {dim = 0 : i64, kind = #tpu.reduction_kind<sum>} : vector<16xi1> -> vector<16xi32>
        %lt3A_95 = vector.broadcast %mul3A_45 : i32 to vector<16xi32>
        %lt3A_96 = arith.cmpi slt, %min3A_92, %lt3A_95 : vector<16xi32>
        %all_reduce_population_count3A_97 = tpu.all_reduce %lt3A_96 {dim = 0 : i64, kind = #tpu.reduction_kind<sum>} : vector<16xi1> -> vector<16xi32>
        %slice3A = vector.extract_strided_slice %all_reduce_population_count3A {offsets = [0], sizes = [1], strides = [1]} : vector<16xi32> to vector<1xi32>
        %squeeze3A = vector.extract %slice3A[0] : i32 from vector<1xi32>
        %ne3A = arith.constant 0 : i32
        %ne3A_98 = arith.cmpi ne, %squeeze3A, %ne3A : i32
        %convert_element_type3A = arith.extui %ne3A_98 : i1 to i32
        %cond3A = arith.constant 0 : i32
        %cond3A_99 = arith.cmpi ne, %convert_element_type3A, %cond3A : i32
        scf.if %cond3A_99 {
          %slice3A_101 = vector.extract_strided_slice %all_reduce_population_count3A_97 {offsets = [0], sizes = [1], strides = [1]} : vector<16xi32> to vector<1xi32>
          %squeeze3A_102 = vector.extract %slice3A_101[0] : i32 from vector<1xi32>
          %eq3A_103 = arith.constant 0 : i32
          %eq3A_104 = arith.cmpi eq, %squeeze3A_102, %eq3A_103 : i32
          %get3A_105 = arith.index_cast %mul3A_76 : i32 to index
          %get3A_106 = tpu.vector_load %arg13[%get3A_105] {strides = array<i32>} : memref<2048xi32, #tpu.memory_space<vmem>>, vector<16xi32>,
          %get3A_107 = arith.index_cast %mul3A_76 : i32 to index
          %get3A_108 = tpu.vector_load %arg14[%get3A_107] {strides = array<i32>} : memref<2048xi32, #tpu.memory_space<vmem>>, vector<16xi32>,
          %get3A_109 = arith.index_cast %mul3A_76 : i32 to index
          %get3A_110 = tpu.vector_load %arg10[%get3A_109] {strides = array<i32>} : memref<2048xf32, #tpu.memory_space<vmem>>, vector<16xf32>,
          %get3A_111 = arith.index_cast %mul3A_76 : i32 to index
          %get3A_112 = tpu.vector_load %arg11[%get3A_111] {strides = array<i32>} : memref<2048xf32, #tpu.memory_space<vmem>>, vector<16xf32>,
          %get3A_113 = arith.index_cast %mul3A_76 : i32 to index
          %get3A_114 = tpu.vector_load %arg12[%get3A_113] {strides = array<i32>} : memref<2048xf32, #tpu.memory_space<vmem>>, vector<16xf32>,
          %mul3A_115 = arith.constant 8 : i32
          %mul3A_116 = arith.muli %scan3A_73, %mul3A_115 : i32
          %add3A_117 = arith.constant 0 : i32
          %add3A_118 = arith.addi %mul3A_116, %add3A_117 : i32
          %mul3A_119 = arith.constant 16 : i32
          %mul3A_120 = arith.muli %add3A_118, %mul3A_119 : i32
          %get3A_121 = arith.index_cast %mul3A_120 : i32 to index
          %get3A_122 = tpu.vector_load %arg15[%get3A_121] {strides = array<i32>} : memref<16384xf32, #tpu.memory_space<vmem>>, vector<16xf32>,
          %select_n3A_123 = arith.select %eq3A_104, %broadcast_in_dim3A_5, %get3A_122 : vector<16xf32>
          %mul3A_124 = arith.constant 8 : i32
          %mul3A_125 = arith.muli %scan3A_73, %mul3A_124 : i32
          %add3A_126 = arith.constant 1 : i32
          %add3A_127 = arith.addi %mul3A_125, %add3A_126 : i32
          %mul3A_128 = arith.constant 16 : i32
          %mul3A_129 = arith.muli %add3A_127, %mul3A_128 : i32
          %get3A_130 = arith.index_cast %mul3A_129 : i32 to index
          %get3A_131 = tpu.vector_load %arg15[%get3A_130] {strides = array<i32>} : memref<16384xf32, #tpu.memory_space<vmem>>, vector<16xf32>,
          %select_n3A_132 = arith.select %eq3A_104, %broadcast_in_dim3A_5, %get3A_131 : vector<16xf32>
          %mul3A_133 = arith.constant 8 : i32
          %mul3A_134 = arith.muli %scan3A_73, %mul3A_133 : i32
          %add3A_135 = arith.constant 2 : i32
          %add3A_136 = arith.addi %mul3A_134, %add3A_135 : i32
          %mul3A_137 = arith.constant 16 : i32
          %mul3A_138 = arith.muli %add3A_136, %mul3A_137 : i32
          %get3A_139 = arith.index_cast %mul3A_138 : i32 to index
          %get3A_140 = tpu.vector_load %arg15[%get3A_139] {strides = array<i32>} : memref<16384xf32, #tpu.memory_space<vmem>>, vector<16xf32>,
          %select_n3A_141 = arith.select %eq3A_104, %broadcast_in_dim3A_5, %get3A_140 : vector<16xf32>
          %mul3A_142 = arith.constant 8 : i32
          %mul3A_143 = arith.muli %scan3A_73, %mul3A_142 : i32
          %add3A_144 = arith.constant 3 : i32
          %add3A_145 = arith.addi %mul3A_143, %add3A_144 : i32
          %mul3A_146 = arith.constant 16 : i32
          %mul3A_147 = arith.muli %add3A_145, %mul3A_146 : i32
          %get3A_148 = arith.index_cast %mul3A_147 : i32 to index
          %get3A_149 = tpu.vector_load %arg15[%get3A_148] {strides = array<i32>} : memref<16384xf32, #tpu.memory_space<vmem>>, vector<16xf32>,
          %select_n3A_150 = arith.select %eq3A_104, %broadcast_in_dim3A_5, %get3A_149 : vector<16xf32>
          %mul3A_151 = arith.constant 8 : i32
          %mul3A_152 = arith.muli %scan3A_73, %mul3A_151 : i32
          %add3A_153 = arith.constant 4 : i32
          %add3A_154 = arith.addi %mul3A_152, %add3A_153 : i32
          %mul3A_155 = arith.constant 16 : i32
          %mul3A_156 = arith.muli %add3A_154, %mul3A_155 : i32
          %get3A_157 = arith.index_cast %mul3A_156 : i32 to index
          %get3A_158 = tpu.vector_load %arg15[%get3A_157] {strides = array<i32>} : memref<16384xf32, #tpu.memory_space<vmem>>, vector<16xf32>,
          %select_n3A_159 = arith.select %eq3A_104, %broadcast_in_dim3A_5, %get3A_158 : vector<16xf32>
          %mul3A_160 = arith.constant 8 : i32
          %mul3A_161 = arith.muli %scan3A_73, %mul3A_160 : i32
          %add3A_162 = arith.constant 5 : i32
          %add3A_163 = arith.addi %mul3A_161, %add3A_162 : i32
          %mul3A_164 = arith.constant 16 : i32
          %mul3A_165 = arith.muli %add3A_163, %mul3A_164 : i32
          %get3A_166 = arith.index_cast %mul3A_165 : i32 to index
          %get3A_167 = tpu.vector_load %arg15[%get3A_166] {strides = array<i32>} : memref<16384xf32, #tpu.memory_space<vmem>>, vector<16xf32>,
          %select_n3A_168 = arith.select %eq3A_104, %broadcast_in_dim3A_5, %get3A_167 : vector<16xf32>
          %mul3A_169 = arith.constant 8 : i32
          %mul3A_170 = arith.muli %scan3A_73, %mul3A_169 : i32
          %add3A_171 = arith.constant 6 : i32
          %add3A_172 = arith.addi %mul3A_170, %add3A_171 : i32
          %mul3A_173 = arith.constant 16 : i32
          %mul3A_174 = arith.muli %add3A_172, %mul3A_173 : i32
          %get3A_175 = arith.index_cast %mul3A_174 : i32 to index
          %get3A_176 = tpu.vector_load %arg15[%get3A_175] {strides = array<i32>} : memref<16384xf32, #tpu.memory_space<vmem>>, vector<16xf32>,
          %select_n3A_177 = arith.select %eq3A_104, %broadcast_in_dim3A_5, %get3A_176 : vector<16xf32>
          %mul3A_178 = arith.constant 8 : i32
          %mul3A_179 = arith.muli %scan3A_73, %mul3A_178 : i32
          %add3A_180 = arith.constant 7 : i32
          %add3A_181 = arith.addi %mul3A_179, %add3A_180 : i32
          %mul3A_182 = arith.constant 16 : i32
          %mul3A_183 = arith.muli %add3A_181, %mul3A_182 : i32
          %get3A_184 = arith.index_cast %mul3A_183 : i32 to index
          %get3A_185 = tpu.vector_load %arg15[%get3A_184] {strides = array<i32>} : memref<16384xf32, #tpu.memory_space<vmem>>, vector<16xf32>,
          %select_n3A_186 = arith.select %eq3A_104, %broadcast_in_dim3A_5, %get3A_185 : vector<16xf32>
          %mul3A_187 = arith.constant 8 : i32
          %mul3A_188 = arith.muli %scan3A_73, %mul3A_187 : i32
          %add3A_189 = arith.constant 0 : i32
          %add3A_190 = arith.addi %mul3A_188, %add3A_189 : i32
          %mul3A_191 = arith.constant 16 : i32
          %mul3A_192 = arith.muli %add3A_190, %mul3A_191 : i32
          %get3A_193 = arith.index_cast %mul3A_192 : i32 to index
          %get3A_194 = tpu.vector_load %arg16[%get3A_193] {strides = array<i32>} : memref<16384xi32, #tpu.memory_space<vmem>>, vector<16xi32>,
          %select_n3A_195 = arith.select %eq3A_104, %broadcast_in_dim3A_7, %get3A_194 : vector<16xi32>
          %mul3A_196 = arith.constant 8 : i32
          %mul3A_197 = arith.muli %scan3A_73, %mul3A_196 : i32
          %add3A_198 = arith.constant 1 : i32
          %add3A_199 = arith.addi %mul3A_197, %add3A_198 : i32
          %mul3A_200 = arith.constant 16 : i32
          %mul3A_201 = arith.muli %add3A_199, %mul3A_200 : i32
          %get3A_202 = arith.index_cast %mul3A_201 : i32 to index
          %get3A_203 = tpu.vector_load %arg16[%get3A_202] {strides = array<i32>} : memref<16384xi32, #tpu.memory_space<vmem>>, vector<16xi32>,
          %select_n3A_204 = arith.select %eq3A_104, %broadcast_in_dim3A_7, %get3A_203 : vector<16xi32>
          %mul3A_205 = arith.constant 8 : i32
          %mul3A_206 = arith.muli %scan3A_73, %mul3A_205 : i32
          %add3A_207 = arith.constant 2 : i32
          %add3A_208 = arith.addi %mul3A_206, %add3A_207 : i32
          %mul3A_209 = arith.constant 16 : i32
          %mul3A_210 = arith.muli %add3A_208, %mul3A_209 : i32
          %get3A_211 = arith.index_cast %mul3A_210 : i32 to index
          %get3A_212 = tpu.vector_load %arg16[%get3A_211] {strides = array<i32>} : memref<16384xi32, #tpu.memory_space<vmem>>, vector<16xi32>,
          %select_n3A_213 = arith.select %eq3A_104, %broadcast_in_dim3A_7, %get3A_212 : vector<16xi32>
          %mul3A_214 = arith.constant 8 : i32
          %mul3A_215 = arith.muli %scan3A_73, %mul3A_214 : i32
          %add3A_216 = arith.constant 3 : i32
          %add3A_217 = arith.addi %mul3A_215, %add3A_216 : i32
          %mul3A_218 = arith.constant 16 : i32
          %mul3A_219 = arith.muli %add3A_217, %mul3A_218 : i32
          %get3A_220 = arith.index_cast %mul3A_219 : i32 to index
          %get3A_221 = tpu.vector_load %arg16[%get3A_220] {strides = array<i32>} : memref<16384xi32, #tpu.memory_space<vmem>>, vector<16xi32>,
          %select_n3A_222 = arith.select %eq3A_104, %broadcast_in_dim3A_7, %get3A_221 : vector<16xi32>
          %mul3A_223 = arith.constant 8 : i32
          %mul3A_224 = arith.muli %scan3A_73, %mul3A_223 : i32
          %add3A_225 = arith.constant 4 : i32
          %add3A_226 = arith.addi %mul3A_224, %add3A_225 : i32
          %mul3A_227 = arith.constant 16 : i32
          %mul3A_228 = arith.muli %add3A_226, %mul3A_227 : i32
          %get3A_229 = arith.index_cast %mul3A_228 : i32 to index
          %get3A_230 = tpu.vector_load %arg16[%get3A_229] {strides = array<i32>} : memref<16384xi32, #tpu.memory_space<vmem>>, vector<16xi32>,
          %select_n3A_231 = arith.select %eq3A_104, %broadcast_in_dim3A_7, %get3A_230 : vector<16xi32>
          %mul3A_232 = arith.constant 8 : i32
          %mul3A_233 = arith.muli %scan3A_73, %mul3A_232 : i32
          %add3A_234 = arith.constant 5 : i32
          %add3A_235 = arith.addi %mul3A_233, %add3A_234 : i32
          %mul3A_236 = arith.constant 16 : i32
          %mul3A_237 = arith.muli %add3A_235, %mul3A_236 : i32
          %get3A_238 = arith.index_cast %mul3A_237 : i32 to index
          %get3A_239 = tpu.vector_load %arg16[%get3A_238] {strides = array<i32>} : memref<16384xi32, #tpu.memory_space<vmem>>, vector<16xi32>,
          %select_n3A_240 = arith.select %eq3A_104, %broadcast_in_dim3A_7, %get3A_239 : vector<16xi32>
          %mul3A_241 = arith.constant 8 : i32
          %mul3A_242 = arith.muli %scan3A_73, %mul3A_241 : i32
          %add3A_243 = arith.constant 6 : i32
          %add3A_244 = arith.addi %mul3A_242, %add3A_243 : i32
          %mul3A_245 = arith.constant 16 : i32
          %mul3A_246 = arith.muli %add3A_244, %mul3A_245 : i32
          %get3A_247 = arith.index_cast %mul3A_246 : i32 to index
          %get3A_248 = tpu.vector_load %arg16[%get3A_247] {strides = array<i32>} : memref<16384xi32, #tpu.memory_space<vmem>>, vector<16xi32>,
          %select_n3A_249 = arith.select %eq3A_104, %broadcast_in_dim3A_7, %get3A_248 : vector<16xi32>
          %mul3A_250 = arith.constant 8 : i32
          %mul3A_251 = arith.muli %scan3A_73, %mul3A_250 : i32
          %add3A_252 = arith.constant 7 : i32
          %add3A_253 = arith.addi %mul3A_251, %add3A_252 : i32
          %mul3A_254 = arith.constant 16 : i32
          %mul3A_255 = arith.muli %add3A_253, %mul3A_254 : i32
          %get3A_256 = arith.index_cast %mul3A_255 : i32 to index
          %get3A_257 = tpu.vector_load %arg16[%get3A_256] {strides = array<i32>} : memref<16384xi32, #tpu.memory_space<vmem>>, vector<16xi32>,
          %select_n3A_258 = arith.select %eq3A_104, %broadcast_in_dim3A_7, %get3A_257 : vector<16xi32>
          %scan3A_259 = arith.constant 0 : i32
          %scan3A_260 = arith.constant 9 : i32
          %scan3A_261 = arith.addi %scan3A_259, %scan3A_260 : i32
          %scan3A_262 = arith.constant 1 : i32
          %scan3A_263:16 = scf.for %scan3A_392 = %scan3A_259 to %scan3A_261 step %scan3A_262 iter_args(%scan3A_393 = %select_n3A_123, %scan3A_394 = %select_n3A_132, %scan3A_395 = %select_n3A_141, %scan3A_396 = %select_n3A_150, %scan3A_397 = %select_n3A_159, %scan3A_398 = %select_n3A_168, %scan3A_399 = %select_n3A_177, %scan3A_400 = %select_n3A_186, %scan3A_401 = %select_n3A_195, %scan3A_402 = %select_n3A_204, %scan3A_403 = %select_n3A_213, %scan3A_404 = %select_n3A_222, %scan3A_405 = %select_n3A_231, %scan3A_406 = %select_n3A_240, %scan3A_407 = %select_n3A_249, %scan3A_408 = %select_n3A_258) -> (vector<16xf32>, vector<16xf32>, vector<16xf32>, vector<16xf32>, vector<16xf32>, vector<16xf32>, vector<16xf32>, vector<16xf32>, vector<16xi32>, vector<16xi32>, vector<16xi32>, vector<16xi32>, vector<16xi32>, vector<16xi32>, vector<16xi32>, vector<16xi32>)  : i32 {
            %sub3A_409 = arith.constant 4 : i32
            %sub3A_410 = arith.subi %scan3A_392, %sub3A_409 : i32
            %add3A_411 = vector.broadcast %sub3A_410 : i32 to vector<16xi32>
            %add3A_412 = arith.addi %get3A_106, %add3A_411 : vector<16xi32>
            %jit3A_413 = arith.constant 0 : i32
            %jit3A_414 = arith.constant 255 : i32
            %max3A_415 = vector.broadcast %jit3A_413 : i32 to vector<16xi32>
            %max3A_416 = arith.maxsi %max3A_415, %add3A_412 : vector<16xi32>
            %min3A_417 = vector.broadcast %jit3A_414 : i32 to vector<16xi32>
            %min3A_418 = arith.minsi %min3A_417, %max3A_416 : vector<16xi32>
            %ge3A_419 = vector.broadcast %mul3A_45 : i32 to vector<16xi32>
            %ge3A_420 = arith.cmpi sge, %min3A_418, %ge3A_419 : vector<16xi32>
            %lt3A_421 = vector.broadcast %select_n3A : i32 to vector<16xi32>
            %lt3A_422 = arith.cmpi slt, %min3A_418, %lt3A_421 : vector<16xi32>
            %and3A_423 = arith.andi %ge3A_420, %lt3A_422 : vector<16xi1>
            %sub3A_424 = vector.broadcast %select_n3A_52 : i32 to vector<16xi32>
            %sub3A_425 = arith.subi %min3A_418, %sub3A_424 : vector<16xi32>
            %jit3A_426 = arith.constant 0 : i32
            %broadcast_in_dim3A_427 = vector.broadcast %jit3A_426 : i32 to vector<16xi32>
            %select_n3A_428 = arith.select %and3A_423, %sub3A_425, %broadcast_in_dim3A_427 : vector<16xi1>, vector<16xi32>
            %shift_left3A = arith.constant 8 : i32
            %shift_left3A_429 = vector.broadcast %shift_left3A : i32 to vector<16xi32>
            %shift_left3A_430 = arith.shli %select_n3A_428, %shift_left3A_429 : vector<16xi32>
            %add3A_431 = arith.constant -4 : i32
            %add3A_432 = vector.broadcast %add3A_431 : i32 to vector<16xi32>
            %add3A_433 = arith.addi %get3A_108, %add3A_432 : vector<16xi32>
            %jit3A_434 = arith.constant 0 : i32
            %jit3A_435 = arith.constant 255 : i32
            %max3A_436 = vector.broadcast %jit3A_434 : i32 to vector<16xi32>
            %max3A_437 = arith.maxsi %max3A_436, %add3A_433 : vector<16xi32>
            %min3A_438 = vector.broadcast %jit3A_435 : i32 to vector<16xi32>
            %min3A_439 = arith.minsi %min3A_438, %max3A_437 : vector<16xi32>
            %add3A_440 = arith.addi %shift_left3A_430, %min3A_439 : vector<16xi32>
            %gather3A = tpu.vector_load_idx %arg7[%add3A_440] : memref<22016xf32, #tpu.memory_space<vmem>>[vector<16xi32>], vector<16xf32>,
            %gather3A_441 = tpu.vector_load_idx %arg8[%add3A_440] : memref<22016xf32, #tpu.memory_space<vmem>>[vector<16xi32>], vector<16xf32>,
            %gather3A_442 = tpu.vector_load_idx %arg9[%add3A_440] : memref<22016xf32, #tpu.memory_space<vmem>>[vector<16xi32>], vector<16xf32>,
            %sub3A_443 = arith.subf %get3A_110, %gather3A : vector<16xf32>
            %sub3A_444 = arith.subf %get3A_112, %gather3A_441 : vector<16xf32>
            %sub3A_445 = arith.subf %get3A_114, %gather3A_442 : vector<16xf32>
            %mul3A_446 = arith.mulf %sub3A_443, %sub3A_443 : vector<16xf32>
            %mul3A_447 = arith.mulf %sub3A_444, %sub3A_444 : vector<16xf32>
            %add3A_448 = arith.addf %mul3A_446, %mul3A_447 : vector<16xf32>
            %mul3A_449 = arith.mulf %sub3A_445, %sub3A_445 : vector<16xf32>
            %add3A_450 = arith.addf %add3A_448, %mul3A_449 : vector<16xf32>
            %jit3A_451 = arith.constant 0x7F800000 : f32
            %broadcast_in_dim3A_452 = vector.broadcast %jit3A_451 : f32 to vector<16xf32>
            %select_n3A_453 = arith.select %and3A_423, %add3A_450, %broadcast_in_dim3A_452 : vector<16xi1>, vector<16xf32>
            %mul3A_454 = arith.constant 9 : i32
            %mul3A_455 = arith.muli %scan3A_392, %mul3A_454 : i32
            %add3A_456 = arith.constant 0 : i32
            %add3A_457 = arith.addi %mul3A_455, %add3A_456 : i32
            %add3A_458 = vector.broadcast %add3A_457 : i32 to vector<16xi32>
            %add3A_459 = arith.addi %broadcast_in_dim3A_7, %add3A_458 : vector<16xi32>
            %add3A_460 = arith.constant -3 : i32
            %add3A_461 = vector.broadcast %add3A_460 : i32 to vector<16xi32>
            %add3A_462 = arith.addi %get3A_108, %add3A_461 : vector<16xi32>
            %jit3A_463 = arith.constant 0 : i32
            %jit3A_464 = arith.constant 255 : i32
            %max3A_465 = vector.broadcast %jit3A_463 : i32 to vector<16xi32>
            %max3A_466 = arith.maxsi %max3A_465, %add3A_462 : vector<16xi32>
            %min3A_467 = vector.broadcast %jit3A_464 : i32 to vector<16xi32>
            %min3A_468 = arith.minsi %min3A_467, %max3A_466 : vector<16xi32>
            %add3A_469 = arith.addi %shift_left3A_430, %min3A_468 : vector<16xi32>
            %gather3A_470 = tpu.vector_load_idx %arg7[%add3A_469] : memref<22016xf32, #tpu.memory_space<vmem>>[vector<16xi32>], vector<16xf32>,
            %gather3A_471 = tpu.vector_load_idx %arg8[%add3A_469] : memref<22016xf32, #tpu.memory_space<vmem>>[vector<16xi32>], vector<16xf32>,
            %gather3A_472 = tpu.vector_load_idx %arg9[%add3A_469] : memref<22016xf32, #tpu.memory_space<vmem>>[vector<16xi32>], vector<16xf32>,
            %sub3A_473 = arith.subf %get3A_110, %gather3A_470 : vector<16xf32>
            %sub3A_474 = arith.subf %get3A_112, %gather3A_471 : vector<16xf32>
            %sub3A_475 = arith.subf %get3A_114, %gather3A_472 : vector<16xf32>
            %mul3A_476 = arith.mulf %sub3A_473, %sub3A_473 : vector<16xf32>
            %mul3A_477 = arith.mulf %sub3A_474, %sub3A_474 : vector<16xf32>
            %add3A_478 = arith.addf %mul3A_476, %mul3A_477 : vector<16xf32>
            %mul3A_479 = arith.mulf %sub3A_475, %sub3A_475 : vector<16xf32>
            %add3A_480 = arith.addf %add3A_478, %mul3A_479 : vector<16xf32>
            %jit3A_481 = arith.constant 0x7F800000 : f32
            %broadcast_in_dim3A_482 = vector.broadcast %jit3A_481 : f32 to vector<16xf32>
            %select_n3A_483 = arith.select %and3A_423, %add3A_480, %broadcast_in_dim3A_482 : vector<16xi1>, vector<16xf32>
            %mul3A_484 = arith.constant 9 : i32
            %mul3A_485 = arith.muli %scan3A_392, %mul3A_484 : i32
            %add3A_486 = arith.constant 1 : i32
            %add3A_487 = arith.addi %mul3A_485, %add3A_486 : i32
            %add3A_488 = vector.broadcast %add3A_487 : i32 to vector<16xi32>
            %add3A_489 = arith.addi %broadcast_in_dim3A_7, %add3A_488 : vector<16xi32>
            %add3A_490 = arith.constant -2 : i32
            %add3A_491 = vector.broadcast %add3A_490 : i32 to vector<16xi32>
            %add3A_492 = arith.addi %get3A_108, %add3A_491 : vector<16xi32>
            %jit3A_493 = arith.constant 0 : i32
            %jit3A_494 = arith.constant 255 : i32
            %max3A_495 = vector.broadcast %jit3A_493 : i32 to vector<16xi32>
            %max3A_496 = arith.maxsi %max3A_495, %add3A_492 : vector<16xi32>
            %min3A_497 = vector.broadcast %jit3A_494 : i32 to vector<16xi32>
            %min3A_498 = arith.minsi %min3A_497, %max3A_496 : vector<16xi32>
            %add3A_499 = arith.addi %shift_left3A_430, %min3A_498 : vector<16xi32>
            %gather3A_500 = tpu.vector_load_idx %arg7[%add3A_499] : memref<22016xf32, #tpu.memory_space<vmem>>[vector<16xi32>], vector<16xf32>,
            %gather3A_501 = tpu.vector_load_idx %arg8[%add3A_499] : memref<22016xf32, #tpu.memory_space<vmem>>[vector<16xi32>], vector<16xf32>,
            %gather3A_502 = tpu.vector_load_idx %arg9[%add3A_499] : memref<22016xf32, #tpu.memory_space<vmem>>[vector<16xi32>], vector<16xf32>,
            %sub3A_503 = arith.subf %get3A_110, %gather3A_500 : vector<16xf32>
            %sub3A_504 = arith.subf %get3A_112, %gather3A_501 : vector<16xf32>
            %sub3A_505 = arith.subf %get3A_114, %gather3A_502 : vector<16xf32>
            %mul3A_506 = arith.mulf %sub3A_503, %sub3A_503 : vector<16xf32>
            %mul3A_507 = arith.mulf %sub3A_504, %sub3A_504 : vector<16xf32>
            %add3A_508 = arith.addf %mul3A_506, %mul3A_507 : vector<16xf32>
            %mul3A_509 = arith.mulf %sub3A_505, %sub3A_505 : vector<16xf32>
            %add3A_510 = arith.addf %add3A_508, %mul3A_509 : vector<16xf32>
            %jit3A_511 = arith.constant 0x7F800000 : f32
            %broadcast_in_dim3A_512 = vector.broadcast %jit3A_511 : f32 to vector<16xf32>
            %select_n3A_513 = arith.select %and3A_423, %add3A_510, %broadcast_in_dim3A_512 : vector<16xi1>, vector<16xf32>
            %mul3A_514 = arith.constant 9 : i32
            %mul3A_515 = arith.muli %scan3A_392, %mul3A_514 : i32
            %add3A_516 = arith.constant 2 : i32
            %add3A_517 = arith.addi %mul3A_515, %add3A_516 : i32
            %add3A_518 = vector.broadcast %add3A_517 : i32 to vector<16xi32>
            %add3A_519 = arith.addi %broadcast_in_dim3A_7, %add3A_518 : vector<16xi32>
            %add3A_520 = arith.constant -1 : i32
            %add3A_521 = vector.broadcast %add3A_520 : i32 to vector<16xi32>
            %add3A_522 = arith.addi %get3A_108, %add3A_521 : vector<16xi32>
            %jit3A_523 = arith.constant 0 : i32
            %jit3A_524 = arith.constant 255 : i32
            %max3A_525 = vector.broadcast %jit3A_523 : i32 to vector<16xi32>
            %max3A_526 = arith.maxsi %max3A_525, %add3A_522 : vector<16xi32>
            %min3A_527 = vector.broadcast %jit3A_524 : i32 to vector<16xi32>
            %min3A_528 = arith.minsi %min3A_527, %max3A_526 : vector<16xi32>
            %add3A_529 = arith.addi %shift_left3A_430, %min3A_528 : vector<16xi32>
            %gather3A_530 = tpu.vector_load_idx %arg7[%add3A_529] : memref<22016xf32, #tpu.memory_space<vmem>>[vector<16xi32>], vector<16xf32>,
            %gather3A_531 = tpu.vector_load_idx %arg8[%add3A_529] : memref<22016xf32, #tpu.memory_space<vmem>>[vector<16xi32>], vector<16xf32>,
            %gather3A_532 = tpu.vector_load_idx %arg9[%add3A_529] : memref<22016xf32, #tpu.memory_space<vmem>>[vector<16xi32>], vector<16xf32>,
            %sub3A_533 = arith.subf %get3A_110, %gather3A_530 : vector<16xf32>
            %sub3A_534 = arith.subf %get3A_112, %gather3A_531 : vector<16xf32>
            %sub3A_535 = arith.subf %get3A_114, %gather3A_532 : vector<16xf32>
            %mul3A_536 = arith.mulf %sub3A_533, %sub3A_533 : vector<16xf32>
            %mul3A_537 = arith.mulf %sub3A_534, %sub3A_534 : vector<16xf32>
            %add3A_538 = arith.addf %mul3A_536, %mul3A_537 : vector<16xf32>
            %mul3A_539 = arith.mulf %sub3A_535, %sub3A_535 : vector<16xf32>
            %add3A_540 = arith.addf %add3A_538, %mul3A_539 : vector<16xf32>
            %jit3A_541 = arith.constant 0x7F800000 : f32
            %broadcast_in_dim3A_542 = vector.broadcast %jit3A_541 : f32 to vector<16xf32>
            %select_n3A_543 = arith.select %and3A_423, %add3A_540, %broadcast_in_dim3A_542 : vector<16xi1>, vector<16xf32>
            %mul3A_544 = arith.constant 9 : i32
            %mul3A_545 = arith.muli %scan3A_392, %mul3A_544 : i32
            %add3A_546 = arith.constant 3 : i32
            %add3A_547 = arith.addi %mul3A_545, %add3A_546 : i32
            %add3A_548 = vector.broadcast %add3A_547 : i32 to vector<16xi32>
            %add3A_549 = arith.addi %broadcast_in_dim3A_7, %add3A_548 : vector<16xi32>
            %add3A_550 = arith.constant 0 : i32
            %add3A_551 = vector.broadcast %add3A_550 : i32 to vector<16xi32>
            %add3A_552 = arith.addi %get3A_108, %add3A_551 : vector<16xi32>
            %jit3A_553 = arith.constant 0 : i32
            %jit3A_554 = arith.constant 255 : i32
            %max3A_555 = vector.broadcast %jit3A_553 : i32 to vector<16xi32>
            %max3A_556 = arith.maxsi %max3A_555, %add3A_552 : vector<16xi32>
            %min3A_557 = vector.broadcast %jit3A_554 : i32 to vector<16xi32>
            %min3A_558 = arith.minsi %min3A_557, %max3A_556 : vector<16xi32>
            %add3A_559 = arith.addi %shift_left3A_430, %min3A_558 : vector<16xi32>
            %gather3A_560 = tpu.vector_load_idx %arg7[%add3A_559] : memref<22016xf32, #tpu.memory_space<vmem>>[vector<16xi32>], vector<16xf32>,
            %gather3A_561 = tpu.vector_load_idx %arg8[%add3A_559] : memref<22016xf32, #tpu.memory_space<vmem>>[vector<16xi32>], vector<16xf32>,
            %gather3A_562 = tpu.vector_load_idx %arg9[%add3A_559] : memref<22016xf32, #tpu.memory_space<vmem>>[vector<16xi32>], vector<16xf32>,
            %sub3A_563 = arith.subf %get3A_110, %gather3A_560 : vector<16xf32>
            %sub3A_564 = arith.subf %get3A_112, %gather3A_561 : vector<16xf32>
            %sub3A_565 = arith.subf %get3A_114, %gather3A_562 : vector<16xf32>
            %mul3A_566 = arith.mulf %sub3A_563, %sub3A_563 : vector<16xf32>
            %mul3A_567 = arith.mulf %sub3A_564, %sub3A_564 : vector<16xf32>
            %add3A_568 = arith.addf %mul3A_566, %mul3A_567 : vector<16xf32>
            %mul3A_569 = arith.mulf %sub3A_565, %sub3A_565 : vector<16xf32>
            %add3A_570 = arith.addf %add3A_568, %mul3A_569 : vector<16xf32>
            %jit3A_571 = arith.constant 0x7F800000 : f32
            %broadcast_in_dim3A_572 = vector.broadcast %jit3A_571 : f32 to vector<16xf32>
            %select_n3A_573 = arith.select %and3A_423, %add3A_570, %broadcast_in_dim3A_572 : vector<16xi1>, vector<16xf32>
            %mul3A_574 = arith.constant 9 : i32
            %mul3A_575 = arith.muli %scan3A_392, %mul3A_574 : i32
            %add3A_576 = arith.constant 4 : i32
            %add3A_577 = arith.addi %mul3A_575, %add3A_576 : i32
            %add3A_578 = vector.broadcast %add3A_577 : i32 to vector<16xi32>
            %add3A_579 = arith.addi %broadcast_in_dim3A_7, %add3A_578 : vector<16xi32>
            %add3A_580 = arith.constant 1 : i32
            %add3A_581 = vector.broadcast %add3A_580 : i32 to vector<16xi32>
            %add3A_582 = arith.addi %get3A_108, %add3A_581 : vector<16xi32>
            %jit3A_583 = arith.constant 0 : i32
            %jit3A_584 = arith.constant 255 : i32
            %max3A_585 = vector.broadcast %jit3A_583 : i32 to vector<16xi32>
            %max3A_586 = arith.maxsi %max3A_585, %add3A_582 : vector<16xi32>
            %min3A_587 = vector.broadcast %jit3A_584 : i32 to vector<16xi32>
            %min3A_588 = arith.minsi %min3A_587, %max3A_586 : vector<16xi32>
            %add3A_589 = arith.addi %shift_left3A_430, %min3A_588 : vector<16xi32>
            %gather3A_590 = tpu.vector_load_idx %arg7[%add3A_589] : memref<22016xf32, #tpu.memory_space<vmem>>[vector<16xi32>], vector<16xf32>,
            %gather3A_591 = tpu.vector_load_idx %arg8[%add3A_589] : memref<22016xf32, #tpu.memory_space<vmem>>[vector<16xi32>], vector<16xf32>,
            %gather3A_592 = tpu.vector_load_idx %arg9[%add3A_589] : memref<22016xf32, #tpu.memory_space<vmem>>[vector<16xi32>], vector<16xf32>,
            %sub3A_593 = arith.subf %get3A_110, %gather3A_590 : vector<16xf32>
            %sub3A_594 = arith.subf %get3A_112, %gather3A_591 : vector<16xf32>
            %sub3A_595 = arith.subf %get3A_114, %gather3A_592 : vector<16xf32>
            %mul3A_596 = arith.mulf %sub3A_593, %sub3A_593 : vector<16xf32>
            %mul3A_597 = arith.mulf %sub3A_594, %sub3A_594 : vector<16xf32>
            %add3A_598 = arith.addf %mul3A_596, %mul3A_597 : vector<16xf32>
            %mul3A_599 = arith.mulf %sub3A_595, %sub3A_595 : vector<16xf32>
            %add3A_600 = arith.addf %add3A_598, %mul3A_599 : vector<16xf32>
            %jit3A_601 = arith.constant 0x7F800000 : f32
            %broadcast_in_dim3A_602 = vector.broadcast %jit3A_601 : f32 to vector<16xf32>
            %select_n3A_603 = arith.select %and3A_423, %add3A_600, %broadcast_in_dim3A_602 : vector<16xi1>, vector<16xf32>
            %mul3A_604 = arith.constant 9 : i32
            %mul3A_605 = arith.muli %scan3A_392, %mul3A_604 : i32
            %add3A_606 = arith.constant 5 : i32
            %add3A_607 = arith.addi %mul3A_605, %add3A_606 : i32
            %add3A_608 = vector.broadcast %add3A_607 : i32 to vector<16xi32>
            %add3A_609 = arith.addi %broadcast_in_dim3A_7, %add3A_608 : vector<16xi32>
            %add3A_610 = arith.constant 2 : i32
            %add3A_611 = vector.broadcast %add3A_610 : i32 to vector<16xi32>
            %add3A_612 = arith.addi %get3A_108, %add3A_611 : vector<16xi32>
            %jit3A_613 = arith.constant 0 : i32
            %jit3A_614 = arith.constant 255 : i32
            %max3A_615 = vector.broadcast %jit3A_613 : i32 to vector<16xi32>
            %max3A_616 = arith.maxsi %max3A_615, %add3A_612 : vector<16xi32>
            %min3A_617 = vector.broadcast %jit3A_614 : i32 to vector<16xi32>
            %min3A_618 = arith.minsi %min3A_617, %max3A_616 : vector<16xi32>
            %add3A_619 = arith.addi %shift_left3A_430, %min3A_618 : vector<16xi32>
            %gather3A_620 = tpu.vector_load_idx %arg7[%add3A_619] : memref<22016xf32, #tpu.memory_space<vmem>>[vector<16xi32>], vector<16xf32>,
            %gather3A_621 = tpu.vector_load_idx %arg8[%add3A_619] : memref<22016xf32, #tpu.memory_space<vmem>>[vector<16xi32>], vector<16xf32>,
            %gather3A_622 = tpu.vector_load_idx %arg9[%add3A_619] : memref<22016xf32, #tpu.memory_space<vmem>>[vector<16xi32>], vector<16xf32>,
            %sub3A_623 = arith.subf %get3A_110, %gather3A_620 : vector<16xf32>
            %sub3A_624 = arith.subf %get3A_112, %gather3A_621 : vector<16xf32>
            %sub3A_625 = arith.subf %get3A_114, %gather3A_622 : vector<16xf32>
            %mul3A_626 = arith.mulf %sub3A_623, %sub3A_623 : vector<16xf32>
            %mul3A_627 = arith.mulf %sub3A_624, %sub3A_624 : vector<16xf32>
            %add3A_628 = arith.addf %mul3A_626, %mul3A_627 : vector<16xf32>
            %mul3A_629 = arith.mulf %sub3A_625, %sub3A_625 : vector<16xf32>
            %add3A_630 = arith.addf %add3A_628, %mul3A_629 : vector<16xf32>
            %jit3A_631 = arith.constant 0x7F800000 : f32
            %broadcast_in_dim3A_632 = vector.broadcast %jit3A_631 : f32 to vector<16xf32>
            %select_n3A_633 = arith.select %and3A_423, %add3A_630, %broadcast_in_dim3A_632 : vector<16xi1>, vector<16xf32>
            %mul3A_634 = arith.constant 9 : i32
            %mul3A_635 = arith.muli %scan3A_392, %mul3A_634 : i32
            %add3A_636 = arith.constant 6 : i32
            %add3A_637 = arith.addi %mul3A_635, %add3A_636 : i32
            %add3A_638 = vector.broadcast %add3A_637 : i32 to vector<16xi32>
            %add3A_639 = arith.addi %broadcast_in_dim3A_7, %add3A_638 : vector<16xi32>
            %add3A_640 = arith.constant 3 : i32
            %add3A_641 = vector.broadcast %add3A_640 : i32 to vector<16xi32>
            %add3A_642 = arith.addi %get3A_108, %add3A_641 : vector<16xi32>
            %jit3A_643 = arith.constant 0 : i32
            %jit3A_644 = arith.constant 255 : i32
            %max3A_645 = vector.broadcast %jit3A_643 : i32 to vector<16xi32>
            %max3A_646 = arith.maxsi %max3A_645, %add3A_642 : vector<16xi32>
            %min3A_647 = vector.broadcast %jit3A_644 : i32 to vector<16xi32>
            %min3A_648 = arith.minsi %min3A_647, %max3A_646 : vector<16xi32>
            %add3A_649 = arith.addi %shift_left3A_430, %min3A_648 : vector<16xi32>
            %gather3A_650 = tpu.vector_load_idx %arg7[%add3A_649] : memref<22016xf32, #tpu.memory_space<vmem>>[vector<16xi32>], vector<16xf32>,
            %gather3A_651 = tpu.vector_load_idx %arg8[%add3A_649] : memref<22016xf32, #tpu.memory_space<vmem>>[vector<16xi32>], vector<16xf32>,
            %gather3A_652 = tpu.vector_load_idx %arg9[%add3A_649] : memref<22016xf32, #tpu.memory_space<vmem>>[vector<16xi32>], vector<16xf32>,
            %sub3A_653 = arith.subf %get3A_110, %gather3A_650 : vector<16xf32>
            %sub3A_654 = arith.subf %get3A_112, %gather3A_651 : vector<16xf32>
            %sub3A_655 = arith.subf %get3A_114, %gather3A_652 : vector<16xf32>
            %mul3A_656 = arith.mulf %sub3A_653, %sub3A_653 : vector<16xf32>
            %mul3A_657 = arith.mulf %sub3A_654, %sub3A_654 : vector<16xf32>
            %add3A_658 = arith.addf %mul3A_656, %mul3A_657 : vector<16xf32>
            %mul3A_659 = arith.mulf %sub3A_655, %sub3A_655 : vector<16xf32>
            %add3A_660 = arith.addf %add3A_658, %mul3A_659 : vector<16xf32>
            %jit3A_661 = arith.constant 0x7F800000 : f32
            %broadcast_in_dim3A_662 = vector.broadcast %jit3A_661 : f32 to vector<16xf32>
            %select_n3A_663 = arith.select %and3A_423, %add3A_660, %broadcast_in_dim3A_662 : vector<16xi1>, vector<16xf32>
            %mul3A_664 = arith.constant 9 : i32
            %mul3A_665 = arith.muli %scan3A_392, %mul3A_664 : i32
            %add3A_666 = arith.constant 7 : i32
            %add3A_667 = arith.addi %mul3A_665, %add3A_666 : i32
            %add3A_668 = vector.broadcast %add3A_667 : i32 to vector<16xi32>
            %add3A_669 = arith.addi %broadcast_in_dim3A_7, %add3A_668 : vector<16xi32>
            %add3A_670 = arith.constant 4 : i32
            %add3A_671 = vector.broadcast %add3A_670 : i32 to vector<16xi32>
            %add3A_672 = arith.addi %get3A_108, %add3A_671 : vector<16xi32>
            %jit3A_673 = arith.constant 0 : i32
            %jit3A_674 = arith.constant 255 : i32
            %max3A_675 = vector.broadcast %jit3A_673 : i32 to vector<16xi32>
            %max3A_676 = arith.maxsi %max3A_675, %add3A_672 : vector<16xi32>
            %min3A_677 = vector.broadcast %jit3A_674 : i32 to vector<16xi32>
            %min3A_678 = arith.minsi %min3A_677, %max3A_676 : vector<16xi32>
            %add3A_679 = arith.addi %shift_left3A_430, %min3A_678 : vector<16xi32>
            %gather3A_680 = tpu.vector_load_idx %arg7[%add3A_679] : memref<22016xf32, #tpu.memory_space<vmem>>[vector<16xi32>], vector<16xf32>,
            %gather3A_681 = tpu.vector_load_idx %arg8[%add3A_679] : memref<22016xf32, #tpu.memory_space<vmem>>[vector<16xi32>], vector<16xf32>,
            %gather3A_682 = tpu.vector_load_idx %arg9[%add3A_679] : memref<22016xf32, #tpu.memory_space<vmem>>[vector<16xi32>], vector<16xf32>,
            %sub3A_683 = arith.subf %get3A_110, %gather3A_680 : vector<16xf32>
            %sub3A_684 = arith.subf %get3A_112, %gather3A_681 : vector<16xf32>
            %sub3A_685 = arith.subf %get3A_114, %gather3A_682 : vector<16xf32>
            %mul3A_686 = arith.mulf %sub3A_683, %sub3A_683 : vector<16xf32>
            %mul3A_687 = arith.mulf %sub3A_684, %sub3A_684 : vector<16xf32>
            %add3A_688 = arith.addf %mul3A_686, %mul3A_687 : vector<16xf32>
            %mul3A_689 = arith.mulf %sub3A_685, %sub3A_685 : vector<16xf32>
            %add3A_690 = arith.addf %add3A_688, %mul3A_689 : vector<16xf32>
            %jit3A_691 = arith.constant 0x7F800000 : f32
            %broadcast_in_dim3A_692 = vector.broadcast %jit3A_691 : f32 to vector<16xf32>
            %select_n3A_693 = arith.select %and3A_423, %add3A_690, %broadcast_in_dim3A_692 : vector<16xi1>, vector<16xf32>
            %mul3A_694 = arith.constant 9 : i32
            %mul3A_695 = arith.muli %scan3A_392, %mul3A_694 : i32
            %add3A_696 = arith.constant 8 : i32
            %add3A_697 = arith.addi %mul3A_695, %add3A_696 : i32
            %add3A_698 = vector.broadcast %add3A_697 : i32 to vector<16xi32>
            %add3A_699 = arith.addi %broadcast_in_dim3A_7, %add3A_698 : vector<16xi32>
            %lt3A_700 = arith.cmpf olt, %select_n3A_543, %select_n3A_453 : vector<16xf32>
            %select_n3A_701 = arith.select %lt3A_700, %select_n3A_543, %select_n3A_453 : vector<16xi1>, vector<16xf32>
            %select_n3A_702 = arith.select %lt3A_700, %select_n3A_453, %select_n3A_543 : vector<16xi1>, vector<16xf32>
            %select_n3A_703 = arith.select %lt3A_700, %add3A_549, %add3A_459 : vector<16xi1>, vector<16xi32>
            %select_n3A_704 = arith.select %lt3A_700, %add3A_459, %add3A_549 : vector<16xi1>, vector<16xi32>
            %lt3A_705 = arith.cmpf olt, %select_n3A_663, %select_n3A_483 : vector<16xf32>
            %select_n3A_706 = arith.select %lt3A_705, %select_n3A_663, %select_n3A_483 : vector<16xi1>, vector<16xf32>
            %select_n3A_707 = arith.select %lt3A_705, %select_n3A_483, %select_n3A_663 : vector<16xi1>, vector<16xf32>
            %select_n3A_708 = arith.select %lt3A_705, %add3A_669, %add3A_489 : vector<16xi1>, vector<16xi32>
            %select_n3A_709 = arith.select %lt3A_705, %add3A_489, %add3A_669 : vector<16xi1>, vector<16xi32>
            %lt3A_710 = arith.cmpf olt, %select_n3A_603, %select_n3A_513 : vector<16xf32>
            %select_n3A_711 = arith.select %lt3A_710, %select_n3A_603, %select_n3A_513 : vector<16xi1>, vector<16xf32>
            %select_n3A_712 = arith.select %lt3A_710, %select_n3A_513, %select_n3A_603 : vector<16xi1>, vector<16xf32>
            %select_n3A_713 = arith.select %lt3A_710, %add3A_609, %add3A_519 : vector<16xi1>, vector<16xi32>
            %select_n3A_714 = arith.select %lt3A_710, %add3A_519, %add3A_609 : vector<16xi1>, vector<16xi32>
            %lt3A_715 = arith.cmpf olt, %select_n3A_693, %select_n3A_573 : vector<16xf32>
            %select_n3A_716 = arith.select %lt3A_715, %select_n3A_693, %select_n3A_573 : vector<16xi1>, vector<16xf32>
            %select_n3A_717 = arith.select %lt3A_715, %select_n3A_573, %select_n3A_693 : vector<16xi1>, vector<16xf32>
            %select_n3A_718 = arith.select %lt3A_715, %add3A_699, %add3A_579 : vector<16xi1>, vector<16xi32>
            %select_n3A_719 = arith.select %lt3A_715, %add3A_579, %add3A_699 : vector<16xi1>, vector<16xi32>
            %lt3A_720 = arith.cmpf olt, %select_n3A_707, %select_n3A_701 : vector<16xf32>
            %select_n3A_721 = arith.select %lt3A_720, %select_n3A_707, %select_n3A_701 : vector<16xi1>, vector<16xf32>
            %select_n3A_722 = arith.select %lt3A_720, %select_n3A_701, %select_n3A_707 : vector<16xi1>, vector<16xf32>
            %select_n3A_723 = arith.select %lt3A_720, %select_n3A_709, %select_n3A_703 : vector<16xi1>, vector<16xi32>
            %select_n3A_724 = arith.select %lt3A_720, %select_n3A_703, %select_n3A_709 : vector<16xi1>, vector<16xi32>
            %lt3A_725 = arith.cmpf olt, %select_n3A_716, %select_n3A_711 : vector<16xf32>
            %select_n3A_726 = arith.select %lt3A_725, %select_n3A_716, %select_n3A_711 : vector<16xi1>, vector<16xf32>
            %select_n3A_727 = arith.select %lt3A_725, %select_n3A_711, %select_n3A_716 : vector<16xi1>, vector<16xf32>
            %select_n3A_728 = arith.select %lt3A_725, %select_n3A_718, %select_n3A_713 : vector<16xi1>, vector<16xi32>
            %select_n3A_729 = arith.select %lt3A_725, %select_n3A_713, %select_n3A_718 : vector<16xi1>, vector<16xi32>
            %lt3A_730 = arith.cmpf olt, %select_n3A_717, %select_n3A_702 : vector<16xf32>
            %select_n3A_731 = arith.select %lt3A_730, %select_n3A_717, %select_n3A_702 : vector<16xi1>, vector<16xf32>
            %select_n3A_732 = arith.select %lt3A_730, %select_n3A_702, %select_n3A_717 : vector<16xi1>, vector<16xf32>
            %select_n3A_733 = arith.select %lt3A_730, %select_n3A_719, %select_n3A_704 : vector<16xi1>, vector<16xi32>
            %select_n3A_734 = arith.select %lt3A_730, %select_n3A_704, %select_n3A_719 : vector<16xi1>, vector<16xi32>
            %lt3A_735 = arith.cmpf olt, %select_n3A_633, %select_n3A_712 : vector<16xf32>
            %select_n3A_736 = arith.select %lt3A_735, %select_n3A_633, %select_n3A_712 : vector<16xi1>, vector<16xf32>
            %select_n3A_737 = arith.select %lt3A_735, %select_n3A_712, %select_n3A_633 : vector<16xi1>, vector<16xf32>
            %select_n3A_738 = arith.select %lt3A_735, %add3A_639, %select_n3A_714 : vector<16xi1>, vector<16xi32>
            %select_n3A_739 = arith.select %lt3A_735, %select_n3A_714, %add3A_639 : vector<16xi1>, vector<16xi32>
            %lt3A_740 = arith.cmpf olt, %select_n3A_726, %select_n3A_721 : vector<16xf32>
            %select_n3A_741 = arith.select %lt3A_740, %select_n3A_726, %select_n3A_721 : vector<16xi1>, vector<16xf32>
            %select_n3A_742 = arith.select %lt3A_740, %select_n3A_721, %select_n3A_726 : vector<16xi1>, vector<16xf32>
            %select_n3A_743 = arith.select %lt3A_740, %select_n3A_728, %select_n3A_723 : vector<16xi1>, vector<16xi32>
            %select_n3A_744 = arith.select %lt3A_740, %select_n3A_723, %select_n3A_728 : vector<16xi1>, vector<16xi32>
            %lt3A_745 = arith.cmpf olt, %select_n3A_731, %select_n3A_706 : vector<16xf32>
            %select_n3A_746 = arith.select %lt3A_745, %select_n3A_731, %select_n3A_706 : vector<16xi1>, vector<16xf32>
            %select_n3A_747 = arith.select %lt3A_745, %select_n3A_706, %select_n3A_731 : vector<16xi1>, vector<16xf32>
            %select_n3A_748 = arith.select %lt3A_745, %select_n3A_733, %select_n3A_708 : vector<16xi1>, vector<16xi32>
            %select_n3A_749 = arith.select %lt3A_745, %select_n3A_708, %select_n3A_733 : vector<16xi1>, vector<16xi32>
            %lt3A_750 = arith.cmpf olt, %select_n3A_736, %select_n3A_727 : vector<16xf32>
            %select_n3A_751 = arith.select %lt3A_750, %select_n3A_736, %select_n3A_727 : vector<16xi1>, vector<16xf32>
            %select_n3A_752 = arith.select %lt3A_750, %select_n3A_727, %select_n3A_736 : vector<16xi1>, vector<16xf32>
            %select_n3A_753 = arith.select %lt3A_750, %select_n3A_738, %select_n3A_729 : vector<16xi1>, vector<16xi32>
            %select_n3A_754 = arith.select %lt3A_750, %select_n3A_729, %select_n3A_738 : vector<16xi1>, vector<16xi32>
            %lt3A_755 = arith.cmpf olt, %select_n3A_732, %select_n3A_722 : vector<16xf32>
            %select_n3A_756 = arith.select %lt3A_755, %select_n3A_732, %select_n3A_722 : vector<16xi1>, vector<16xf32>
            %select_n3A_757 = arith.select %lt3A_755, %select_n3A_722, %select_n3A_732 : vector<16xi1>, vector<16xf32>
            %select_n3A_758 = arith.select %lt3A_755, %select_n3A_734, %select_n3A_724 : vector<16xi1>, vector<16xi32>
            %select_n3A_759 = arith.select %lt3A_755, %select_n3A_724, %select_n3A_734 : vector<16xi1>, vector<16xi32>
            %lt3A_760 = arith.cmpf olt, %select_n3A_751, %select_n3A_746 : vector<16xf32>
            %select_n3A_761 = arith.select %lt3A_760, %select_n3A_751, %select_n3A_746 : vector<16xi1>, vector<16xf32>
            %select_n3A_762 = arith.select %lt3A_760, %select_n3A_746, %select_n3A_751 : vector<16xi1>, vector<16xf32>
            %select_n3A_763 = arith.select %lt3A_760, %select_n3A_753, %select_n3A_748 : vector<16xi1>, vector<16xi32>
            %select_n3A_764 = arith.select %lt3A_760, %select_n3A_748, %select_n3A_753 : vector<16xi1>, vector<16xi32>
            %lt3A_765 = arith.cmpf olt, %select_n3A_737, %select_n3A_747 : vector<16xf32>
            %select_n3A_766 = arith.select %lt3A_765, %select_n3A_737, %select_n3A_747 : vector<16xi1>, vector<16xf32>
            %select_n3A_767 = arith.select %lt3A_765, %select_n3A_747, %select_n3A_737 : vector<16xi1>, vector<16xf32>
            %select_n3A_768 = arith.select %lt3A_765, %select_n3A_739, %select_n3A_749 : vector<16xi1>, vector<16xi32>
            %select_n3A_769 = arith.select %lt3A_765, %select_n3A_749, %select_n3A_739 : vector<16xi1>, vector<16xi32>
            %lt3A_770 = arith.cmpf olt, %select_n3A_756, %select_n3A_752 : vector<16xf32>
            %select_n3A_771 = arith.select %lt3A_770, %select_n3A_756, %select_n3A_752 : vector<16xi1>, vector<16xf32>
            %select_n3A_772 = arith.select %lt3A_770, %select_n3A_752, %select_n3A_756 : vector<16xi1>, vector<16xf32>
            %select_n3A_773 = arith.select %lt3A_770, %select_n3A_758, %select_n3A_754 : vector<16xi1>, vector<16xi32>
            %select_n3A_774 = arith.select %lt3A_770, %select_n3A_754, %select_n3A_758 : vector<16xi1>, vector<16xi32>
            %lt3A_775 = arith.cmpf olt, %select_n3A_761, %select_n3A_741 : vector<16xf32>
            %select_n3A_776 = arith.select %lt3A_775, %select_n3A_761, %select_n3A_741 : vector<16xi1>, vector<16xf32>
            %select_n3A_777 = arith.select %lt3A_775, %select_n3A_741, %select_n3A_761 : vector<16xi1>, vector<16xf32>
            %select_n3A_778 = arith.select %lt3A_775, %select_n3A_763, %select_n3A_743 : vector<16xi1>, vector<16xi32>
            %select_n3A_779 = arith.select %lt3A_775, %select_n3A_743, %select_n3A_763 : vector<16xi1>, vector<16xi32>
            %lt3A_780 = arith.cmpf olt, %select_n3A_762, %select_n3A_742 : vector<16xf32>
            %select_n3A_781 = arith.select %lt3A_780, %select_n3A_762, %select_n3A_742 : vector<16xi1>, vector<16xf32>
            %select_n3A_782 = arith.select %lt3A_780, %select_n3A_742, %select_n3A_762 : vector<16xi1>, vector<16xf32>
            %select_n3A_783 = arith.select %lt3A_780, %select_n3A_764, %select_n3A_744 : vector<16xi1>, vector<16xi32>
            %select_n3A_784 = arith.select %lt3A_780, %select_n3A_744, %select_n3A_764 : vector<16xi1>, vector<16xi32>
            %lt3A_785 = arith.cmpf olt, %select_n3A_771, %select_n3A_766 : vector<16xf32>
            %select_n3A_786 = arith.select %lt3A_785, %select_n3A_771, %select_n3A_766 : vector<16xi1>, vector<16xf32>
            %select_n3A_787 = arith.select %lt3A_785, %select_n3A_766, %select_n3A_771 : vector<16xi1>, vector<16xf32>
            %select_n3A_788 = arith.select %lt3A_785, %select_n3A_773, %select_n3A_768 : vector<16xi1>, vector<16xi32>
            %select_n3A_789 = arith.select %lt3A_785, %select_n3A_768, %select_n3A_773 : vector<16xi1>, vector<16xi32>
            %lt3A_790 = arith.cmpf olt, %select_n3A_757, %select_n3A_767 : vector<16xf32>
            %select_n3A_791 = arith.select %lt3A_790, %select_n3A_757, %select_n3A_767 : vector<16xi1>, vector<16xf32>
            %select_n3A_792 = arith.select %lt3A_790, %select_n3A_767, %select_n3A_757 : vector<16xi1>, vector<16xf32>
            %select_n3A_793 = arith.select %lt3A_790, %select_n3A_759, %select_n3A_769 : vector<16xi1>, vector<16xi32>
            %select_n3A_794 = arith.select %lt3A_790, %select_n3A_769, %select_n3A_759 : vector<16xi1>, vector<16xi32>
            %lt3A_795 = arith.cmpf olt, %select_n3A_786, %select_n3A_781 : vector<16xf32>
            %select_n3A_796 = arith.select %lt3A_795, %select_n3A_786, %select_n3A_781 : vector<16xi1>, vector<16xf32>
            %select_n3A_797 = arith.select %lt3A_795, %select_n3A_781, %select_n3A_786 : vector<16xi1>, vector<16xf32>
            %select_n3A_798 = arith.select %lt3A_795, %select_n3A_788, %select_n3A_783 : vector<16xi1>, vector<16xi32>
            %select_n3A_799 = arith.select %lt3A_795, %select_n3A_783, %select_n3A_788 : vector<16xi1>, vector<16xi32>
            %lt3A_800 = arith.cmpf olt, %select_n3A_787, %select_n3A_782 : vector<16xf32>
            %select_n3A_801 = arith.select %lt3A_800, %select_n3A_787, %select_n3A_782 : vector<16xi1>, vector<16xf32>
            %select_n3A_802 = arith.select %lt3A_800, %select_n3A_782, %select_n3A_787 : vector<16xi1>, vector<16xf32>
            %select_n3A_803 = arith.select %lt3A_800, %select_n3A_789, %select_n3A_784 : vector<16xi1>, vector<16xi32>
            %select_n3A_804 = arith.select %lt3A_800, %select_n3A_784, %select_n3A_789 : vector<16xi1>, vector<16xi32>
            %lt3A_805 = arith.cmpf olt, %select_n3A_772, %select_n3A_791 : vector<16xf32>
            %select_n3A_806 = arith.select %lt3A_805, %select_n3A_772, %select_n3A_791 : vector<16xi1>, vector<16xf32>
            %select_n3A_807 = arith.select %lt3A_805, %select_n3A_791, %select_n3A_772 : vector<16xi1>, vector<16xf32>
            %select_n3A_808 = arith.select %lt3A_805, %select_n3A_774, %select_n3A_793 : vector<16xi1>, vector<16xi32>
            %select_n3A_809 = arith.select %lt3A_805, %select_n3A_793, %select_n3A_774 : vector<16xi1>, vector<16xi32>
            %lt3A_810 = arith.cmpf olt, %select_n3A_796, %select_n3A_777 : vector<16xf32>
            %select_n3A_811 = arith.select %lt3A_810, %select_n3A_796, %select_n3A_777 : vector<16xi1>, vector<16xf32>
            %select_n3A_812 = arith.select %lt3A_810, %select_n3A_777, %select_n3A_796 : vector<16xi1>, vector<16xf32>
            %select_n3A_813 = arith.select %lt3A_810, %select_n3A_798, %select_n3A_779 : vector<16xi1>, vector<16xi32>
            %select_n3A_814 = arith.select %lt3A_810, %select_n3A_779, %select_n3A_798 : vector<16xi1>, vector<16xi32>
            %lt3A_815 = arith.cmpf olt, %select_n3A_801, %select_n3A_797 : vector<16xf32>
            %select_n3A_816 = arith.select %lt3A_815, %select_n3A_801, %select_n3A_797 : vector<16xi1>, vector<16xf32>
            %select_n3A_817 = arith.select %lt3A_815, %select_n3A_797, %select_n3A_801 : vector<16xi1>, vector<16xf32>
            %select_n3A_818 = arith.select %lt3A_815, %select_n3A_803, %select_n3A_799 : vector<16xi1>, vector<16xi32>
            %select_n3A_819 = arith.select %lt3A_815, %select_n3A_799, %select_n3A_803 : vector<16xi1>, vector<16xi32>
            %lt3A_820 = arith.cmpf olt, %select_n3A_806, %select_n3A_802 : vector<16xf32>
            %select_n3A_821 = arith.select %lt3A_820, %select_n3A_806, %select_n3A_802 : vector<16xi1>, vector<16xf32>
            %select_n3A_822 = arith.select %lt3A_820, %select_n3A_802, %select_n3A_806 : vector<16xi1>, vector<16xf32>
            %select_n3A_823 = arith.select %lt3A_820, %select_n3A_808, %select_n3A_804 : vector<16xi1>, vector<16xi32>
            %select_n3A_824 = arith.select %lt3A_820, %select_n3A_804, %select_n3A_808 : vector<16xi1>, vector<16xi32>
            %lt3A_825 = arith.cmpf olt, %select_n3A_807, %scan3A_393 : vector<16xf32>
            %select_n3A_826 = arith.select %lt3A_825, %select_n3A_807, %scan3A_393 : vector<16xi1>, vector<16xf32>
            %select_n3A_827 = arith.select %lt3A_825, %select_n3A_809, %scan3A_401 : vector<16xi1>, vector<16xi32>
            %lt3A_828 = arith.cmpf olt, %select_n3A_822, %scan3A_394 : vector<16xf32>
            %select_n3A_829 = arith.select %lt3A_828, %select_n3A_822, %scan3A_394 : vector<16xi1>, vector<16xf32>
            %select_n3A_830 = arith.select %lt3A_828, %select_n3A_824, %scan3A_402 : vector<16xi1>, vector<16xi32>
            %lt3A_831 = arith.cmpf olt, %select_n3A_821, %scan3A_395 : vector<16xf32>
            %select_n3A_832 = arith.select %lt3A_831, %select_n3A_821, %scan3A_395 : vector<16xi1>, vector<16xf32>
            %select_n3A_833 = arith.select %lt3A_831, %select_n3A_823, %scan3A_403 : vector<16xi1>, vector<16xi32>
            %lt3A_834 = arith.cmpf olt, %select_n3A_817, %scan3A_396 : vector<16xf32>
            %select_n3A_835 = arith.select %lt3A_834, %select_n3A_817, %scan3A_396 : vector<16xi1>, vector<16xf32>
            %select_n3A_836 = arith.select %lt3A_834, %select_n3A_819, %scan3A_404 : vector<16xi1>, vector<16xi32>
            %lt3A_837 = arith.cmpf olt, %select_n3A_816, %scan3A_397 : vector<16xf32>
            %select_n3A_838 = arith.select %lt3A_837, %select_n3A_816, %scan3A_397 : vector<16xi1>, vector<16xf32>
            %select_n3A_839 = arith.select %lt3A_837, %select_n3A_818, %scan3A_405 : vector<16xi1>, vector<16xi32>
            %lt3A_840 = arith.cmpf olt, %select_n3A_812, %scan3A_398 : vector<16xf32>
            %select_n3A_841 = arith.select %lt3A_840, %select_n3A_812, %scan3A_398 : vector<16xi1>, vector<16xf32>
            %select_n3A_842 = arith.select %lt3A_840, %select_n3A_814, %scan3A_406 : vector<16xi1>, vector<16xi32>
            %lt3A_843 = arith.cmpf olt, %select_n3A_811, %scan3A_399 : vector<16xf32>
            %select_n3A_844 = arith.select %lt3A_843, %select_n3A_811, %scan3A_399 : vector<16xi1>, vector<16xf32>
            %select_n3A_845 = arith.select %lt3A_843, %select_n3A_813, %scan3A_407 : vector<16xi1>, vector<16xi32>
            %lt3A_846 = arith.cmpf olt, %select_n3A_776, %scan3A_400 : vector<16xf32>
            %select_n3A_847 = arith.select %lt3A_846, %select_n3A_776, %scan3A_400 : vector<16xi1>, vector<16xf32>
            %select_n3A_848 = arith.select %lt3A_846, %select_n3A_778, %scan3A_408 : vector<16xi1>, vector<16xi32>
            %lt3A_849 = arith.cmpf olt, %select_n3A_838, %select_n3A_826 : vector<16xf32>
            %select_n3A_850 = arith.select %lt3A_849, %select_n3A_838, %select_n3A_826 : vector<16xi1>, vector<16xf32>
            %select_n3A_851 = arith.select %lt3A_849, %select_n3A_826, %select_n3A_838 : vector<16xi1>, vector<16xf32>
            %select_n3A_852 = arith.select %lt3A_849, %select_n3A_839, %select_n3A_827 : vector<16xi1>, vector<16xi32>
            %select_n3A_853 = arith.select %lt3A_849, %select_n3A_827, %select_n3A_839 : vector<16xi1>, vector<16xi32>
            %lt3A_854 = arith.cmpf olt, %select_n3A_841, %select_n3A_829 : vector<16xf32>
            %select_n3A_855 = arith.select %lt3A_854, %select_n3A_841, %select_n3A_829 : vector<16xi1>, vector<16xf32>
            %select_n3A_856 = arith.select %lt3A_854, %select_n3A_829, %select_n3A_841 : vector<16xi1>, vector<16xf32>
            %select_n3A_857 = arith.select %lt3A_854, %select_n3A_842, %select_n3A_830 : vector<16xi1>, vector<16xi32>
            %select_n3A_858 = arith.select %lt3A_854, %select_n3A_830, %select_n3A_842 : vector<16xi1>, vector<16xi32>
            %lt3A_859 = arith.cmpf olt, %select_n3A_844, %select_n3A_832 : vector<16xf32>
            %select_n3A_860 = arith.select %lt3A_859, %select_n3A_844, %select_n3A_832 : vector<16xi1>, vector<16xf32>
            %select_n3A_861 = arith.select %lt3A_859, %select_n3A_832, %select_n3A_844 : vector<16xi1>, vector<16xf32>
            %select_n3A_862 = arith.select %lt3A_859, %select_n3A_845, %select_n3A_833 : vector<16xi1>, vector<16xi32>
            %select_n3A_863 = arith.select %lt3A_859, %select_n3A_833, %select_n3A_845 : vector<16xi1>, vector<16xi32>
            %lt3A_864 = arith.cmpf olt, %select_n3A_847, %select_n3A_835 : vector<16xf32>
            %select_n3A_865 = arith.select %lt3A_864, %select_n3A_847, %select_n3A_835 : vector<16xi1>, vector<16xf32>
            %select_n3A_866 = arith.select %lt3A_864, %select_n3A_835, %select_n3A_847 : vector<16xi1>, vector<16xf32>
            %select_n3A_867 = arith.select %lt3A_864, %select_n3A_848, %select_n3A_836 : vector<16xi1>, vector<16xi32>
            %select_n3A_868 = arith.select %lt3A_864, %select_n3A_836, %select_n3A_848 : vector<16xi1>, vector<16xi32>
            %lt3A_869 = arith.cmpf olt, %select_n3A_860, %select_n3A_850 : vector<16xf32>
            %select_n3A_870 = arith.select %lt3A_869, %select_n3A_860, %select_n3A_850 : vector<16xi1>, vector<16xf32>
            %select_n3A_871 = arith.select %lt3A_869, %select_n3A_850, %select_n3A_860 : vector<16xi1>, vector<16xf32>
            %select_n3A_872 = arith.select %lt3A_869, %select_n3A_862, %select_n3A_852 : vector<16xi1>, vector<16xi32>
            %select_n3A_873 = arith.select %lt3A_869, %select_n3A_852, %select_n3A_862 : vector<16xi1>, vector<16xi32>
            %lt3A_874 = arith.cmpf olt, %select_n3A_865, %select_n3A_855 : vector<16xf32>
            %select_n3A_875 = arith.select %lt3A_874, %select_n3A_865, %select_n3A_855 : vector<16xi1>, vector<16xf32>
            %select_n3A_876 = arith.select %lt3A_874, %select_n3A_855, %select_n3A_865 : vector<16xi1>, vector<16xf32>
            %select_n3A_877 = arith.select %lt3A_874, %select_n3A_867, %select_n3A_857 : vector<16xi1>, vector<16xi32>
            %select_n3A_878 = arith.select %lt3A_874, %select_n3A_857, %select_n3A_867 : vector<16xi1>, vector<16xi32>
            %lt3A_879 = arith.cmpf olt, %select_n3A_861, %select_n3A_851 : vector<16xf32>
            %select_n3A_880 = arith.select %lt3A_879, %select_n3A_861, %select_n3A_851 : vector<16xi1>, vector<16xf32>
            %select_n3A_881 = arith.select %lt3A_879, %select_n3A_851, %select_n3A_861 : vector<16xi1>, vector<16xf32>
            %select_n3A_882 = arith.select %lt3A_879, %select_n3A_863, %select_n3A_853 : vector<16xi1>, vector<16xi32>
            %select_n3A_883 = arith.select %lt3A_879, %select_n3A_853, %select_n3A_863 : vector<16xi1>, vector<16xi32>
            %lt3A_884 = arith.cmpf olt, %select_n3A_866, %select_n3A_856 : vector<16xf32>
            %select_n3A_885 = arith.select %lt3A_884, %select_n3A_866, %select_n3A_856 : vector<16xi1>, vector<16xf32>
            %select_n3A_886 = arith.select %lt3A_884, %select_n3A_856, %select_n3A_866 : vector<16xi1>, vector<16xf32>
            %select_n3A_887 = arith.select %lt3A_884, %select_n3A_868, %select_n3A_858 : vector<16xi1>, vector<16xi32>
            %select_n3A_888 = arith.select %lt3A_884, %select_n3A_858, %select_n3A_868 : vector<16xi1>, vector<16xi32>
            %lt3A_889 = arith.cmpf olt, %select_n3A_875, %select_n3A_870 : vector<16xf32>
            %select_n3A_890 = arith.select %lt3A_889, %select_n3A_875, %select_n3A_870 : vector<16xi1>, vector<16xf32>
            %select_n3A_891 = arith.select %lt3A_889, %select_n3A_870, %select_n3A_875 : vector<16xi1>, vector<16xf32>
            %select_n3A_892 = arith.select %lt3A_889, %select_n3A_877, %select_n3A_872 : vector<16xi1>, vector<16xi32>
            %select_n3A_893 = arith.select %lt3A_889, %select_n3A_872, %select_n3A_877 : vector<16xi1>, vector<16xi32>
            %lt3A_894 = arith.cmpf olt, %select_n3A_876, %select_n3A_871 : vector<16xf32>
            %select_n3A_895 = arith.select %lt3A_894, %select_n3A_876, %select_n3A_871 : vector<16xi1>, vector<16xf32>
            %select_n3A_896 = arith.select %lt3A_894, %select_n3A_871, %select_n3A_876 : vector<16xi1>, vector<16xf32>
            %select_n3A_897 = arith.select %lt3A_894, %select_n3A_878, %select_n3A_873 : vector<16xi1>, vector<16xi32>
            %select_n3A_898 = arith.select %lt3A_894, %select_n3A_873, %select_n3A_878 : vector<16xi1>, vector<16xi32>
            %lt3A_899 = arith.cmpf olt, %select_n3A_885, %select_n3A_880 : vector<16xf32>
            %select_n3A_900 = arith.select %lt3A_899, %select_n3A_885, %select_n3A_880 : vector<16xi1>, vector<16xf32>
            %select_n3A_901 = arith.select %lt3A_899, %select_n3A_880, %select_n3A_885 : vector<16xi1>, vector<16xf32>
            %select_n3A_902 = arith.select %lt3A_899, %select_n3A_887, %select_n3A_882 : vector<16xi1>, vector<16xi32>
            %select_n3A_903 = arith.select %lt3A_899, %select_n3A_882, %select_n3A_887 : vector<16xi1>, vector<16xi32>
            %lt3A_904 = arith.cmpf olt, %select_n3A_886, %select_n3A_881 : vector<16xf32>
            %select_n3A_905 = arith.select %lt3A_904, %select_n3A_886, %select_n3A_881 : vector<16xi1>, vector<16xf32>
            %select_n3A_906 = arith.select %lt3A_904, %select_n3A_881, %select_n3A_886 : vector<16xi1>, vector<16xf32>
            %select_n3A_907 = arith.select %lt3A_904, %select_n3A_888, %select_n3A_883 : vector<16xi1>, vector<16xi32>
            %select_n3A_908 = arith.select %lt3A_904, %select_n3A_883, %select_n3A_888 : vector<16xi1>, vector<16xi32>
            scf.yield %select_n3A_890, %select_n3A_891, %select_n3A_895, %select_n3A_896, %select_n3A_900, %select_n3A_901, %select_n3A_905, %select_n3A_906, %select_n3A_892, %select_n3A_893, %select_n3A_897, %select_n3A_898, %select_n3A_902, %select_n3A_903, %select_n3A_907, %select_n3A_908 : vector<16xf32>, vector<16xf32>, vector<16xf32>, vector<16xf32>, vector<16xf32>, vector<16xf32>, vector<16xf32>, vector<16xf32>, vector<16xi32>, vector<16xi32>, vector<16xi32>, vector<16xi32>, vector<16xi32>, vector<16xi32>, vector<16xi32>, vector<16xi32>
          }
          %scan3A_264 = arith.constant 9 : i32
          %mul3A_265 = arith.constant 8 : i32
          %mul3A_266 = arith.muli %scan3A_73, %mul3A_265 : i32
          %add3A_267 = arith.constant 0 : i32
          %add3A_268 = arith.addi %mul3A_266, %add3A_267 : i32
          %mul3A_269 = arith.constant 16 : i32
          %mul3A_270 = arith.muli %add3A_268, %mul3A_269 : i32
          %swap3A = arith.index_cast %mul3A_270 : i32 to index
          %swap3A_271 = tpu.vector_load %arg15[%swap3A] {strides = array<i32>} : memref<16384xf32, #tpu.memory_space<vmem>>, vector<16xf32>,
          tpu.vector_store %arg15[%swap3A], %scan3A_263#0 {strides = array<i32>} : memref<16384xf32, #tpu.memory_space<vmem>>, vector<16xf32>,
          %mul3A_272 = arith.constant 8 : i32
          %mul3A_273 = arith.muli %scan3A_73, %mul3A_272 : i32
          %add3A_274 = arith.constant 0 : i32
          %add3A_275 = arith.addi %mul3A_273, %add3A_274 : i32
          %mul3A_276 = arith.constant 16 : i32
          %mul3A_277 = arith.muli %add3A_275, %mul3A_276 : i32
          %swap3A_278 = arith.index_cast %mul3A_277 : i32 to index
          %swap3A_279 = tpu.vector_load %arg16[%swap3A_278] {strides = array<i32>} : memref<16384xi32, #tpu.memory_space<vmem>>, vector<16xi32>,
          tpu.vector_store %arg16[%swap3A_278], %scan3A_263#8 {strides = array<i32>} : memref<16384xi32, #tpu.memory_space<vmem>>, vector<16xi32>,
          %mul3A_280 = arith.constant 8 : i32
          %mul3A_281 = arith.muli %scan3A_73, %mul3A_280 : i32
          %add3A_282 = arith.constant 1 : i32
          %add3A_283 = arith.addi %mul3A_281, %add3A_282 : i32
          %mul3A_284 = arith.constant 16 : i32
          %mul3A_285 = arith.muli %add3A_283, %mul3A_284 : i32
          %swap3A_286 = arith.index_cast %mul3A_285 : i32 to index
          %swap3A_287 = tpu.vector_load %arg15[%swap3A_286] {strides = array<i32>} : memref<16384xf32, #tpu.memory_space<vmem>>, vector<16xf32>,
          tpu.vector_store %arg15[%swap3A_286], %scan3A_263#1 {strides = array<i32>} : memref<16384xf32, #tpu.memory_space<vmem>>, vector<16xf32>,
          %mul3A_288 = arith.constant 8 : i32
          %mul3A_289 = arith.muli %scan3A_73, %mul3A_288 : i32
          %add3A_290 = arith.constant 1 : i32
          %add3A_291 = arith.addi %mul3A_289, %add3A_290 : i32
          %mul3A_292 = arith.constant 16 : i32
          %mul3A_293 = arith.muli %add3A_291, %mul3A_292 : i32
          %swap3A_294 = arith.index_cast %mul3A_293 : i32 to index
          %swap3A_295 = tpu.vector_load %arg16[%swap3A_294] {strides = array<i32>} : memref<16384xi32, #tpu.memory_space<vmem>>, vector<16xi32>,
          tpu.vector_store %arg16[%swap3A_294], %scan3A_263#9 {strides = array<i32>} : memref<16384xi32, #tpu.memory_space<vmem>>, vector<16xi32>,
          %mul3A_296 = arith.constant 8 : i32
          %mul3A_297 = arith.muli %scan3A_73, %mul3A_296 : i32
          %add3A_298 = arith.constant 2 : i32
          %add3A_299 = arith.addi %mul3A_297, %add3A_298 : i32
          %mul3A_300 = arith.constant 16 : i32
          %mul3A_301 = arith.muli %add3A_299, %mul3A_300 : i32
          %swap3A_302 = arith.index_cast %mul3A_301 : i32 to index
          %swap3A_303 = tpu.vector_load %arg15[%swap3A_302] {strides = array<i32>} : memref<16384xf32, #tpu.memory_space<vmem>>, vector<16xf32>,
          tpu.vector_store %arg15[%swap3A_302], %scan3A_263#2 {strides = array<i32>} : memref<16384xf32, #tpu.memory_space<vmem>>, vector<16xf32>,
          %mul3A_304 = arith.constant 8 : i32
          %mul3A_305 = arith.muli %scan3A_73, %mul3A_304 : i32
          %add3A_306 = arith.constant 2 : i32
          %add3A_307 = arith.addi %mul3A_305, %add3A_306 : i32
          %mul3A_308 = arith.constant 16 : i32
          %mul3A_309 = arith.muli %add3A_307, %mul3A_308 : i32
          %swap3A_310 = arith.index_cast %mul3A_309 : i32 to index
          %swap3A_311 = tpu.vector_load %arg16[%swap3A_310] {strides = array<i32>} : memref<16384xi32, #tpu.memory_space<vmem>>, vector<16xi32>,
          tpu.vector_store %arg16[%swap3A_310], %scan3A_263#10 {strides = array<i32>} : memref<16384xi32, #tpu.memory_space<vmem>>, vector<16xi32>,
          %mul3A_312 = arith.constant 8 : i32
          %mul3A_313 = arith.muli %scan3A_73, %mul3A_312 : i32
          %add3A_314 = arith.constant 3 : i32
          %add3A_315 = arith.addi %mul3A_313, %add3A_314 : i32
          %mul3A_316 = arith.constant 16 : i32
          %mul3A_317 = arith.muli %add3A_315, %mul3A_316 : i32
          %swap3A_318 = arith.index_cast %mul3A_317 : i32 to index
          %swap3A_319 = tpu.vector_load %arg15[%swap3A_318] {strides = array<i32>} : memref<16384xf32, #tpu.memory_space<vmem>>, vector<16xf32>,
          tpu.vector_store %arg15[%swap3A_318], %scan3A_263#3 {strides = array<i32>} : memref<16384xf32, #tpu.memory_space<vmem>>, vector<16xf32>,
          %mul3A_320 = arith.constant 8 : i32
          %mul3A_321 = arith.muli %scan3A_73, %mul3A_320 : i32
          %add3A_322 = arith.constant 3 : i32
          %add3A_323 = arith.addi %mul3A_321, %add3A_322 : i32
          %mul3A_324 = arith.constant 16 : i32
          %mul3A_325 = arith.muli %add3A_323, %mul3A_324 : i32
          %swap3A_326 = arith.index_cast %mul3A_325 : i32 to index
          %swap3A_327 = tpu.vector_load %arg16[%swap3A_326] {strides = array<i32>} : memref<16384xi32, #tpu.memory_space<vmem>>, vector<16xi32>,
          tpu.vector_store %arg16[%swap3A_326], %scan3A_263#11 {strides = array<i32>} : memref<16384xi32, #tpu.memory_space<vmem>>, vector<16xi32>,
          %mul3A_328 = arith.constant 8 : i32
          %mul3A_329 = arith.muli %scan3A_73, %mul3A_328 : i32
          %add3A_330 = arith.constant 4 : i32
          %add3A_331 = arith.addi %mul3A_329, %add3A_330 : i32
          %mul3A_332 = arith.constant 16 : i32
          %mul3A_333 = arith.muli %add3A_331, %mul3A_332 : i32
          %swap3A_334 = arith.index_cast %mul3A_333 : i32 to index
          %swap3A_335 = tpu.vector_load %arg15[%swap3A_334] {strides = array<i32>} : memref<16384xf32, #tpu.memory_space<vmem>>, vector<16xf32>,
          tpu.vector_store %arg15[%swap3A_334], %scan3A_263#4 {strides = array<i32>} : memref<16384xf32, #tpu.memory_space<vmem>>, vector<16xf32>,
          %mul3A_336 = arith.constant 8 : i32
          %mul3A_337 = arith.muli %scan3A_73, %mul3A_336 : i32
          %add3A_338 = arith.constant 4 : i32
          %add3A_339 = arith.addi %mul3A_337, %add3A_338 : i32
          %mul3A_340 = arith.constant 16 : i32
          %mul3A_341 = arith.muli %add3A_339, %mul3A_340 : i32
          %swap3A_342 = arith.index_cast %mul3A_341 : i32 to index
          %swap3A_343 = tpu.vector_load %arg16[%swap3A_342] {strides = array<i32>} : memref<16384xi32, #tpu.memory_space<vmem>>, vector<16xi32>,
          tpu.vector_store %arg16[%swap3A_342], %scan3A_263#12 {strides = array<i32>} : memref<16384xi32, #tpu.memory_space<vmem>>, vector<16xi32>,
          %mul3A_344 = arith.constant 8 : i32
          %mul3A_345 = arith.muli %scan3A_73, %mul3A_344 : i32
          %add3A_346 = arith.constant 5 : i32
          %add3A_347 = arith.addi %mul3A_345, %add3A_346 : i32
          %mul3A_348 = arith.constant 16 : i32
          %mul3A_349 = arith.muli %add3A_347, %mul3A_348 : i32
          %swap3A_350 = arith.index_cast %mul3A_349 : i32 to index
          %swap3A_351 = tpu.vector_load %arg15[%swap3A_350] {strides = array<i32>} : memref<16384xf32, #tpu.memory_space<vmem>>, vector<16xf32>,
          tpu.vector_store %arg15[%swap3A_350], %scan3A_263#5 {strides = array<i32>} : memref<16384xf32, #tpu.memory_space<vmem>>, vector<16xf32>,
          %mul3A_352 = arith.constant 8 : i32
          %mul3A_353 = arith.muli %scan3A_73, %mul3A_352 : i32
          %add3A_354 = arith.constant 5 : i32
          %add3A_355 = arith.addi %mul3A_353, %add3A_354 : i32
          %mul3A_356 = arith.constant 16 : i32
          %mul3A_357 = arith.muli %add3A_355, %mul3A_356 : i32
          %swap3A_358 = arith.index_cast %mul3A_357 : i32 to index
          %swap3A_359 = tpu.vector_load %arg16[%swap3A_358] {strides = array<i32>} : memref<16384xi32, #tpu.memory_space<vmem>>, vector<16xi32>,
          tpu.vector_store %arg16[%swap3A_358], %scan3A_263#13 {strides = array<i32>} : memref<16384xi32, #tpu.memory_space<vmem>>, vector<16xi32>,
          %mul3A_360 = arith.constant 8 : i32
          %mul3A_361 = arith.muli %scan3A_73, %mul3A_360 : i32
          %add3A_362 = arith.constant 6 : i32
          %add3A_363 = arith.addi %mul3A_361, %add3A_362 : i32
          %mul3A_364 = arith.constant 16 : i32
          %mul3A_365 = arith.muli %add3A_363, %mul3A_364 : i32
          %swap3A_366 = arith.index_cast %mul3A_365 : i32 to index
          %swap3A_367 = tpu.vector_load %arg15[%swap3A_366] {strides = array<i32>} : memref<16384xf32, #tpu.memory_space<vmem>>, vector<16xf32>,
          tpu.vector_store %arg15[%swap3A_366], %scan3A_263#6 {strides = array<i32>} : memref<16384xf32, #tpu.memory_space<vmem>>, vector<16xf32>,
          %mul3A_368 = arith.constant 8 : i32
          %mul3A_369 = arith.muli %scan3A_73, %mul3A_368 : i32
          %add3A_370 = arith.constant 6 : i32
          %add3A_371 = arith.addi %mul3A_369, %add3A_370 : i32
          %mul3A_372 = arith.constant 16 : i32
          %mul3A_373 = arith.muli %add3A_371, %mul3A_372 : i32
          %swap3A_374 = arith.index_cast %mul3A_373 : i32 to index
          %swap3A_375 = tpu.vector_load %arg16[%swap3A_374] {strides = array<i32>} : memref<16384xi32, #tpu.memory_space<vmem>>, vector<16xi32>,
          tpu.vector_store %arg16[%swap3A_374], %scan3A_263#14 {strides = array<i32>} : memref<16384xi32, #tpu.memory_space<vmem>>, vector<16xi32>,
          %mul3A_376 = arith.constant 8 : i32
          %mul3A_377 = arith.muli %scan3A_73, %mul3A_376 : i32
          %add3A_378 = arith.constant 7 : i32
          %add3A_379 = arith.addi %mul3A_377, %add3A_378 : i32
          %mul3A_380 = arith.constant 16 : i32
          %mul3A_381 = arith.muli %add3A_379, %mul3A_380 : i32
          %swap3A_382 = arith.index_cast %mul3A_381 : i32 to index
          %swap3A_383 = tpu.vector_load %arg15[%swap3A_382] {strides = array<i32>} : memref<16384xf32, #tpu.memory_space<vmem>>, vector<16xf32>,
          tpu.vector_store %arg15[%swap3A_382], %scan3A_263#7 {strides = array<i32>} : memref<16384xf32, #tpu.memory_space<vmem>>, vector<16xf32>,
          %mul3A_384 = arith.constant 8 : i32
          %mul3A_385 = arith.muli %scan3A_73, %mul3A_384 : i32
          %add3A_386 = arith.constant 7 : i32
          %add3A_387 = arith.addi %mul3A_385, %add3A_386 : i32
          %mul3A_388 = arith.constant 16 : i32
          %mul3A_389 = arith.muli %add3A_387, %mul3A_388 : i32
          %swap3A_390 = arith.index_cast %mul3A_389 : i32 to index
          %swap3A_391 = tpu.vector_load %arg16[%swap3A_390] {strides = array<i32>} : memref<16384xi32, #tpu.memory_space<vmem>>, vector<16xi32>,
          tpu.vector_store %arg16[%swap3A_390], %scan3A_263#15 {strides = array<i32>} : memref<16384xi32, #tpu.memory_space<vmem>>, vector<16xi32>,
        } else {
        }
        %scan3A_100 = arith.constant 0 : i32
        scf.yield %scan3A_100 : i32
      }
      %scan3A_71 = arith.constant 128 : i32
      %scan3A_72 = arith.constant 0 : i32
      scf.yield %scan3A_72 : i32
    }
    %scan3A_29 = arith.constant 3 : i32
    %broadcast_in_dim3A_30 = arith.constant 1.000000e+00 : f32
    %broadcast_in_dim3A_31 = vector.broadcast %broadcast_in_dim3A_30 : f32 to vector<16xf32>
    %mul3A_32 = arith.constant 24 : i32
    %mul3A_33 = vector.broadcast %mul3A_32 : i32 to vector<16xi32>
    %mul3A_34 = arith.muli %iota3A, %mul3A_33 : vector<16xi32>
    %scan3A_35 = arith.constant 0 : i32
    %scan3A_36 = arith.constant 0 : i32
    %scan3A_37 = arith.constant 4 : i32
    %scan3A_38 = arith.addi %scan3A_36, %scan3A_37 : i32
    %scan3A_39 = arith.constant 1 : i32
    %scan3A_40 = scf.for %scan3A_42 = %scan3A_36 to %scan3A_38 step %scan3A_39 iter_args(%scan3A_43 = %scan3A_35) -> (i32)  : i32 {
      %scan3A_44 = arith.constant 0 : i32
      %scan3A_45 = arith.constant 0 : i32
      %scan3A_46 = arith.constant 32 : i32
      %scan3A_47 = arith.addi %scan3A_45, %scan3A_46 : i32
      %scan3A_48 = arith.constant 1 : i32
      %scan3A_49 = scf.for %scan3A_60 = %scan3A_45 to %scan3A_47 step %scan3A_48 iter_args(%scan3A_61 = %scan3A_44) -> (i32)  : i32 {
        %mul3A_62 = arith.constant 32 : i32
        %mul3A_63 = arith.muli %scan3A_42, %mul3A_62 : i32
        %add3A_64 = arith.addi %mul3A_63, %scan3A_60 : i32
        %mul3A_65 = arith.constant 16 : i32
        %mul3A_66 = arith.muli %add3A_64, %mul3A_65 : i32
        %get3A = arith.index_cast %mul3A_66 : i32 to index
        %get3A_67 = tpu.vector_load %arg13[%get3A] {strides = array<i32>} : memref<2048xi32, #tpu.memory_space<vmem>>, vector<16xi32>,
        %get3A_68 = arith.index_cast %mul3A_66 : i32 to index
        %get3A_69 = tpu.vector_load %arg14[%get3A_68] {strides = array<i32>} : memref<2048xi32, #tpu.memory_space<vmem>>, vector<16xi32>,
        %shift_right_arithmetic3A = arith.constant 4 : i32
        %shift_right_arithmetic3A_70 = arith.shrsi %add3A_64, %shift_right_arithmetic3A : i32
        %add3A_71 = arith.addi %add3A_4, %shift_right_arithmetic3A_70 : i32
        %and3A = arith.constant 15 : i32
        %and3A_72 = arith.andi %add3A_64, %and3A : i32
        %mul3A_73 = arith.constant 16 : i32
        %mul3A_74 = arith.muli %and3A_72, %mul3A_73 : i32
        %add3A_75 = vector.broadcast %mul3A_74 : i32 to vector<16xi32>
        %add3A_76 = arith.addi %add3A_75, %iota3A : vector<16xi32>
        %mul3A_77 = arith.constant 16 : i32
        %mul3A_78 = arith.muli %scan3A_60, %mul3A_77 : i32
        %mul3A_79 = arith.constant 24 : i32
        %mul3A_80 = arith.muli %mul3A_78, %mul3A_79 : i32
        %mul3A_81 = arith.constant 8 : i32
        %mul3A_82 = arith.muli %add3A_64, %mul3A_81 : i32
        %add3A_83 = arith.constant 0 : i32
        %add3A_84 = arith.addi %mul3A_82, %add3A_83 : i32
        %mul3A_85 = arith.constant 16 : i32
        %mul3A_86 = arith.muli %add3A_84, %mul3A_85 : i32
        %get3A_87 = arith.index_cast %mul3A_86 : i32 to index
        %get3A_88 = tpu.vector_load %arg16[%get3A_87] {strides = array<i32>} : memref<16384xi32, #tpu.memory_space<vmem>>, vector<16xi32>,
        %mul3A_89 = arith.constant 7282 : i32
        %mul3A_90 = vector.broadcast %mul3A_89 : i32 to vector<16xi32>
        %mul3A_91 = arith.muli %get3A_88, %mul3A_90 : vector<16xi32>
        %shift_right_arithmetic3A_92 = arith.constant 16 : i32
        %shift_right_arithmetic3A_93 = vector.broadcast %shift_right_arithmetic3A_92 : i32 to vector<16xi32>
        %shift_right_arithmetic3A_94 = arith.shrsi %mul3A_91, %shift_right_arithmetic3A_93 : vector<16xi32>
        %mul3A_95 = arith.constant 9 : i32
        %mul3A_96 = vector.broadcast %mul3A_95 : i32 to vector<16xi32>
        %mul3A_97 = arith.muli %shift_right_arithmetic3A_94, %mul3A_96 : vector<16xi32>
        %sub3A_98 = arith.subi %get3A_88, %mul3A_97 : vector<16xi32>
        %sub3A_99 = arith.constant 4 : i32
        %sub3A_100 = vector.broadcast %sub3A_99 : i32 to vector<16xi32>
        %sub3A_101 = arith.subi %shift_right_arithmetic3A_94, %sub3A_100 : vector<16xi32>
        %add3A_102 = arith.addi %get3A_67, %sub3A_101 : vector<16xi32>
        %jit3A = arith.constant 0 : i32
        %jit3A_103 = arith.constant 255 : i32
        %max3A = vector.broadcast %jit3A : i32 to vector<16xi32>
        %max3A_104 = arith.maxsi %max3A, %add3A_102 : vector<16xi32>
        %min3A = vector.broadcast %jit3A_103 : i32 to vector<16xi32>
        %min3A_105 = arith.minsi %min3A, %max3A_104 : vector<16xi32>
        %sub3A_106 = arith.constant 4 : i32
        %sub3A_107 = vector.broadcast %sub3A_106 : i32 to vector<16xi32>
        %sub3A_108 = arith.subi %sub3A_98, %sub3A_107 : vector<16xi32>
        %add3A_109 = arith.addi %get3A_69, %sub3A_108 : vector<16xi32>
        %jit3A_110 = arith.constant 0 : i32
        %jit3A_111 = arith.constant 255 : i32
        %max3A_112 = vector.broadcast %jit3A_110 : i32 to vector<16xi32>
        %max3A_113 = arith.maxsi %max3A_112, %add3A_109 : vector<16xi32>
        %min3A_114 = vector.broadcast %jit3A_111 : i32 to vector<16xi32>
        %min3A_115 = arith.minsi %min3A_114, %max3A_113 : vector<16xi32>
        %sub3A_116 = vector.broadcast %add3A_71 : i32 to vector<16xi32>
        %sub3A_117 = arith.subi %min3A_105, %sub3A_116 : vector<16xi32>
        %convert_element_type3A = arith.sitofp %sub3A_117 : vector<16xi32> to vector<16xf32>
        %sub3A_118 = arith.subi %min3A_115, %add3A_76 : vector<16xi32>
        %convert_element_type3A_119 = arith.sitofp %sub3A_118 : vector<16xi32> to vector<16xf32>
        %add3A_120 = arith.constant 0 : i32
        %add3A_121 = arith.addi %mul3A_80, %add3A_120 : i32
        %add3A_122 = vector.broadcast %add3A_121 : i32 to vector<16xi32>
        %add3A_123 = arith.addi %mul3A_34, %add3A_122 : vector<16xi32>
        tpu.vector_store_idx %arg17[%add3A_123], %broadcast_in_dim3A_31 : memref<12288xf32, #tpu.memory_space<vmem>>[vector<16xi32>], vector<16xf32>,
        %add3A_124 = arith.constant 1 : i32
        %add3A_125 = vector.broadcast %add3A_124 : i32 to vector<16xi32>
        %add3A_126 = arith.addi %add3A_123, %add3A_125 : vector<16xi32>
        tpu.vector_store_idx %arg17[%add3A_126], %convert_element_type3A_119 : memref<12288xf32, #tpu.memory_space<vmem>>[vector<16xi32>], vector<16xf32>,
        %add3A_127 = arith.constant 2 : i32
        %add3A_128 = vector.broadcast %add3A_127 : i32 to vector<16xi32>
        %add3A_129 = arith.addi %add3A_123, %add3A_128 : vector<16xi32>
        tpu.vector_store_idx %arg17[%add3A_129], %convert_element_type3A : memref<12288xf32, #tpu.memory_space<vmem>>[vector<16xi32>], vector<16xf32>,
        %mul3A_130 = arith.constant 8 : i32
        %mul3A_131 = arith.muli %add3A_64, %mul3A_130 : i32
        %add3A_132 = arith.constant 1 : i32
        %add3A_133 = arith.addi %mul3A_131, %add3A_132 : i32
        %mul3A_134 = arith.constant 16 : i32
        %mul3A_135 = arith.muli %add3A_133, %mul3A_134 : i32
        %get3A_136 = arith.index_cast %mul3A_135 : i32 to index
        %get3A_137 = tpu.vector_load %arg16[%get3A_136] {strides = array<i32>} : memref<16384xi32, #tpu.memory_space<vmem>>, vector<16xi32>,
        %mul3A_138 = arith.constant 7282 : i32
        %mul3A_139 = vector.broadcast %mul3A_138 : i32 to vector<16xi32>
        %mul3A_140 = arith.muli %get3A_137, %mul3A_139 : vector<16xi32>
        %shift_right_arithmetic3A_141 = arith.constant 16 : i32
        %shift_right_arithmetic3A_142 = vector.broadcast %shift_right_arithmetic3A_141 : i32 to vector<16xi32>
        %shift_right_arithmetic3A_143 = arith.shrsi %mul3A_140, %shift_right_arithmetic3A_142 : vector<16xi32>
        %mul3A_144 = arith.constant 9 : i32
        %mul3A_145 = vector.broadcast %mul3A_144 : i32 to vector<16xi32>
        %mul3A_146 = arith.muli %shift_right_arithmetic3A_143, %mul3A_145 : vector<16xi32>
        %sub3A_147 = arith.subi %get3A_137, %mul3A_146 : vector<16xi32>
        %sub3A_148 = arith.constant 4 : i32
        %sub3A_149 = vector.broadcast %sub3A_148 : i32 to vector<16xi32>
        %sub3A_150 = arith.subi %shift_right_arithmetic3A_143, %sub3A_149 : vector<16xi32>
        %add3A_151 = arith.addi %get3A_67, %sub3A_150 : vector<16xi32>
        %jit3A_152 = arith.constant 0 : i32
        %jit3A_153 = arith.constant 255 : i32
        %max3A_154 = vector.broadcast %jit3A_152 : i32 to vector<16xi32>
        %max3A_155 = arith.maxsi %max3A_154, %add3A_151 : vector<16xi32>
        %min3A_156 = vector.broadcast %jit3A_153 : i32 to vector<16xi32>
        %min3A_157 = arith.minsi %min3A_156, %max3A_155 : vector<16xi32>
        %sub3A_158 = arith.constant 4 : i32
        %sub3A_159 = vector.broadcast %sub3A_158 : i32 to vector<16xi32>
        %sub3A_160 = arith.subi %sub3A_147, %sub3A_159 : vector<16xi32>
        %add3A_161 = arith.addi %get3A_69, %sub3A_160 : vector<16xi32>
        %jit3A_162 = arith.constant 0 : i32
        %jit3A_163 = arith.constant 255 : i32
        %max3A_164 = vector.broadcast %jit3A_162 : i32 to vector<16xi32>
        %max3A_165 = arith.maxsi %max3A_164, %add3A_161 : vector<16xi32>
        %min3A_166 = vector.broadcast %jit3A_163 : i32 to vector<16xi32>
        %min3A_167 = arith.minsi %min3A_166, %max3A_165 : vector<16xi32>
        %sub3A_168 = vector.broadcast %add3A_71 : i32 to vector<16xi32>
        %sub3A_169 = arith.subi %min3A_157, %sub3A_168 : vector<16xi32>
        %convert_element_type3A_170 = arith.sitofp %sub3A_169 : vector<16xi32> to vector<16xf32>
        %sub3A_171 = arith.subi %min3A_167, %add3A_76 : vector<16xi32>
        %convert_element_type3A_172 = arith.sitofp %sub3A_171 : vector<16xi32> to vector<16xf32>
        %add3A_173 = arith.constant 3 : i32
        %add3A_174 = arith.addi %mul3A_80, %add3A_173 : i32
        %add3A_175 = vector.broadcast %add3A_174 : i32 to vector<16xi32>
        %add3A_176 = arith.addi %mul3A_34, %add3A_175 : vector<16xi32>
        tpu.vector_store_idx %arg17[%add3A_176], %broadcast_in_dim3A_31 : memref<12288xf32, #tpu.memory_space<vmem>>[vector<16xi32>], vector<16xf32>,
        %add3A_177 = arith.constant 1 : i32
        %add3A_178 = vector.broadcast %add3A_177 : i32 to vector<16xi32>
        %add3A_179 = arith.addi %add3A_176, %add3A_178 : vector<16xi32>
        tpu.vector_store_idx %arg17[%add3A_179], %convert_element_type3A_172 : memref<12288xf32, #tpu.memory_space<vmem>>[vector<16xi32>], vector<16xf32>,
        %add3A_180 = arith.constant 2 : i32
        %add3A_181 = vector.broadcast %add3A_180 : i32 to vector<16xi32>
        %add3A_182 = arith.addi %add3A_176, %add3A_181 : vector<16xi32>
        tpu.vector_store_idx %arg17[%add3A_182], %convert_element_type3A_170 : memref<12288xf32, #tpu.memory_space<vmem>>[vector<16xi32>], vector<16xf32>,
        %mul3A_183 = arith.constant 8 : i32
        %mul3A_184 = arith.muli %add3A_64, %mul3A_183 : i32
        %add3A_185 = arith.constant 2 : i32
        %add3A_186 = arith.addi %mul3A_184, %add3A_185 : i32
        %mul3A_187 = arith.constant 16 : i32
        %mul3A_188 = arith.muli %add3A_186, %mul3A_187 : i32
        %get3A_189 = arith.index_cast %mul3A_188 : i32 to index
        %get3A_190 = tpu.vector_load %arg16[%get3A_189] {strides = array<i32>} : memref<16384xi32, #tpu.memory_space<vmem>>, vector<16xi32>,
        %mul3A_191 = arith.constant 7282 : i32
        %mul3A_192 = vector.broadcast %mul3A_191 : i32 to vector<16xi32>
        %mul3A_193 = arith.muli %get3A_190, %mul3A_192 : vector<16xi32>
        %shift_right_arithmetic3A_194 = arith.constant 16 : i32
        %shift_right_arithmetic3A_195 = vector.broadcast %shift_right_arithmetic3A_194 : i32 to vector<16xi32>
        %shift_right_arithmetic3A_196 = arith.shrsi %mul3A_193, %shift_right_arithmetic3A_195 : vector<16xi32>
        %mul3A_197 = arith.constant 9 : i32
        %mul3A_198 = vector.broadcast %mul3A_197 : i32 to vector<16xi32>
        %mul3A_199 = arith.muli %shift_right_arithmetic3A_196, %mul3A_198 : vector<16xi32>
        %sub3A_200 = arith.subi %get3A_190, %mul3A_199 : vector<16xi32>
        %sub3A_201 = arith.constant 4 : i32
        %sub3A_202 = vector.broadcast %sub3A_201 : i32 to vector<16xi32>
        %sub3A_203 = arith.subi %shift_right_arithmetic3A_196, %sub3A_202 : vector<16xi32>
        %add3A_204 = arith.addi %get3A_67, %sub3A_203 : vector<16xi32>
        %jit3A_205 = arith.constant 0 : i32
        %jit3A_206 = arith.constant 255 : i32
        %max3A_207 = vector.broadcast %jit3A_205 : i32 to vector<16xi32>
        %max3A_208 = arith.maxsi %max3A_207, %add3A_204 : vector<16xi32>
        %min3A_209 = vector.broadcast %jit3A_206 : i32 to vector<16xi32>
        %min3A_210 = arith.minsi %min3A_209, %max3A_208 : vector<16xi32>
        %sub3A_211 = arith.constant 4 : i32
        %sub3A_212 = vector.broadcast %sub3A_211 : i32 to vector<16xi32>
        %sub3A_213 = arith.subi %sub3A_200, %sub3A_212 : vector<16xi32>
        %add3A_214 = arith.addi %get3A_69, %sub3A_213 : vector<16xi32>
        %jit3A_215 = arith.constant 0 : i32
        %jit3A_216 = arith.constant 255 : i32
        %max3A_217 = vector.broadcast %jit3A_215 : i32 to vector<16xi32>
        %max3A_218 = arith.maxsi %max3A_217, %add3A_214 : vector<16xi32>
        %min3A_219 = vector.broadcast %jit3A_216 : i32 to vector<16xi32>
        %min3A_220 = arith.minsi %min3A_219, %max3A_218 : vector<16xi32>
        %sub3A_221 = vector.broadcast %add3A_71 : i32 to vector<16xi32>
        %sub3A_222 = arith.subi %min3A_210, %sub3A_221 : vector<16xi32>
        %convert_element_type3A_223 = arith.sitofp %sub3A_222 : vector<16xi32> to vector<16xf32>
        %sub3A_224 = arith.subi %min3A_220, %add3A_76 : vector<16xi32>
        %convert_element_type3A_225 = arith.sitofp %sub3A_224 : vector<16xi32> to vector<16xf32>
        %add3A_226 = arith.constant 6 : i32
        %add3A_227 = arith.addi %mul3A_80, %add3A_226 : i32
        %add3A_228 = vector.broadcast %add3A_227 : i32 to vector<16xi32>
        %add3A_229 = arith.addi %mul3A_34, %add3A_228 : vector<16xi32>
        tpu.vector_store_idx %arg17[%add3A_229], %broadcast_in_dim3A_31 : memref<12288xf32, #tpu.memory_space<vmem>>[vector<16xi32>], vector<16xf32>,
        %add3A_230 = arith.constant 1 : i32
        %add3A_231 = vector.broadcast %add3A_230 : i32 to vector<16xi32>
        %add3A_232 = arith.addi %add3A_229, %add3A_231 : vector<16xi32>
        tpu.vector_store_idx %arg17[%add3A_232], %convert_element_type3A_225 : memref<12288xf32, #tpu.memory_space<vmem>>[vector<16xi32>], vector<16xf32>,
        %add3A_233 = arith.constant 2 : i32
        %add3A_234 = vector.broadcast %add3A_233 : i32 to vector<16xi32>
        %add3A_235 = arith.addi %add3A_229, %add3A_234 : vector<16xi32>
        tpu.vector_store_idx %arg17[%add3A_235], %convert_element_type3A_223 : memref<12288xf32, #tpu.memory_space<vmem>>[vector<16xi32>], vector<16xf32>,
        %mul3A_236 = arith.constant 8 : i32
        %mul3A_237 = arith.muli %add3A_64, %mul3A_236 : i32
        %add3A_238 = arith.constant 3 : i32
        %add3A_239 = arith.addi %mul3A_237, %add3A_238 : i32
        %mul3A_240 = arith.constant 16 : i32
        %mul3A_241 = arith.muli %add3A_239, %mul3A_240 : i32
        %get3A_242 = arith.index_cast %mul3A_241 : i32 to index
        %get3A_243 = tpu.vector_load %arg16[%get3A_242] {strides = array<i32>} : memref<16384xi32, #tpu.memory_space<vmem>>, vector<16xi32>,
        %mul3A_244 = arith.constant 7282 : i32
        %mul3A_245 = vector.broadcast %mul3A_244 : i32 to vector<16xi32>
        %mul3A_246 = arith.muli %get3A_243, %mul3A_245 : vector<16xi32>
        %shift_right_arithmetic3A_247 = arith.constant 16 : i32
        %shift_right_arithmetic3A_248 = vector.broadcast %shift_right_arithmetic3A_247 : i32 to vector<16xi32>
        %shift_right_arithmetic3A_249 = arith.shrsi %mul3A_246, %shift_right_arithmetic3A_248 : vector<16xi32>
        %mul3A_250 = arith.constant 9 : i32
        %mul3A_251 = vector.broadcast %mul3A_250 : i32 to vector<16xi32>
        %mul3A_252 = arith.muli %shift_right_arithmetic3A_249, %mul3A_251 : vector<16xi32>
        %sub3A_253 = arith.subi %get3A_243, %mul3A_252 : vector<16xi32>
        %sub3A_254 = arith.constant 4 : i32
        %sub3A_255 = vector.broadcast %sub3A_254 : i32 to vector<16xi32>
        %sub3A_256 = arith.subi %shift_right_arithmetic3A_249, %sub3A_255 : vector<16xi32>
        %add3A_257 = arith.addi %get3A_67, %sub3A_256 : vector<16xi32>
        %jit3A_258 = arith.constant 0 : i32
        %jit3A_259 = arith.constant 255 : i32
        %max3A_260 = vector.broadcast %jit3A_258 : i32 to vector<16xi32>
        %max3A_261 = arith.maxsi %max3A_260, %add3A_257 : vector<16xi32>
        %min3A_262 = vector.broadcast %jit3A_259 : i32 to vector<16xi32>
        %min3A_263 = arith.minsi %min3A_262, %max3A_261 : vector<16xi32>
        %sub3A_264 = arith.constant 4 : i32
        %sub3A_265 = vector.broadcast %sub3A_264 : i32 to vector<16xi32>
        %sub3A_266 = arith.subi %sub3A_253, %sub3A_265 : vector<16xi32>
        %add3A_267 = arith.addi %get3A_69, %sub3A_266 : vector<16xi32>
        %jit3A_268 = arith.constant 0 : i32
        %jit3A_269 = arith.constant 255 : i32
        %max3A_270 = vector.broadcast %jit3A_268 : i32 to vector<16xi32>
        %max3A_271 = arith.maxsi %max3A_270, %add3A_267 : vector<16xi32>
        %min3A_272 = vector.broadcast %jit3A_269 : i32 to vector<16xi32>
        %min3A_273 = arith.minsi %min3A_272, %max3A_271 : vector<16xi32>
        %sub3A_274 = vector.broadcast %add3A_71 : i32 to vector<16xi32>
        %sub3A_275 = arith.subi %min3A_263, %sub3A_274 : vector<16xi32>
        %convert_element_type3A_276 = arith.sitofp %sub3A_275 : vector<16xi32> to vector<16xf32>
        %sub3A_277 = arith.subi %min3A_273, %add3A_76 : vector<16xi32>
        %convert_element_type3A_278 = arith.sitofp %sub3A_277 : vector<16xi32> to vector<16xf32>
        %add3A_279 = arith.constant 9 : i32
        %add3A_280 = arith.addi %mul3A_80, %add3A_279 : i32
        %add3A_281 = vector.broadcast %add3A_280 : i32 to vector<16xi32>
        %add3A_282 = arith.addi %mul3A_34, %add3A_281 : vector<16xi32>
        tpu.vector_store_idx %arg17[%add3A_282], %broadcast_in_dim3A_31 : memref<12288xf32, #tpu.memory_space<vmem>>[vector<16xi32>], vector<16xf32>,
        %add3A_283 = arith.constant 1 : i32
        %add3A_284 = vector.broadcast %add3A_283 : i32 to vector<16xi32>
        %add3A_285 = arith.addi %add3A_282, %add3A_284 : vector<16xi32>
        tpu.vector_store_idx %arg17[%add3A_285], %convert_element_type3A_278 : memref<12288xf32, #tpu.memory_space<vmem>>[vector<16xi32>], vector<16xf32>,
        %add3A_286 = arith.constant 2 : i32
        %add3A_287 = vector.broadcast %add3A_286 : i32 to vector<16xi32>
        %add3A_288 = arith.addi %add3A_282, %add3A_287 : vector<16xi32>
        tpu.vector_store_idx %arg17[%add3A_288], %convert_element_type3A_276 : memref<12288xf32, #tpu.memory_space<vmem>>[vector<16xi32>], vector<16xf32>,
        %mul3A_289 = arith.constant 8 : i32
        %mul3A_290 = arith.muli %add3A_64, %mul3A_289 : i32
        %add3A_291 = arith.constant 4 : i32
        %add3A_292 = arith.addi %mul3A_290, %add3A_291 : i32
        %mul3A_293 = arith.constant 16 : i32
        %mul3A_294 = arith.muli %add3A_292, %mul3A_293 : i32
        %get3A_295 = arith.index_cast %mul3A_294 : i32 to index
        %get3A_296 = tpu.vector_load %arg16[%get3A_295] {strides = array<i32>} : memref<16384xi32, #tpu.memory_space<vmem>>, vector<16xi32>,
        %mul3A_297 = arith.constant 7282 : i32
        %mul3A_298 = vector.broadcast %mul3A_297 : i32 to vector<16xi32>
        %mul3A_299 = arith.muli %get3A_296, %mul3A_298 : vector<16xi32>
        %shift_right_arithmetic3A_300 = arith.constant 16 : i32
        %shift_right_arithmetic3A_301 = vector.broadcast %shift_right_arithmetic3A_300 : i32 to vector<16xi32>
        %shift_right_arithmetic3A_302 = arith.shrsi %mul3A_299, %shift_right_arithmetic3A_301 : vector<16xi32>
        %mul3A_303 = arith.constant 9 : i32
        %mul3A_304 = vector.broadcast %mul3A_303 : i32 to vector<16xi32>
        %mul3A_305 = arith.muli %shift_right_arithmetic3A_302, %mul3A_304 : vector<16xi32>
        %sub3A_306 = arith.subi %get3A_296, %mul3A_305 : vector<16xi32>
        %sub3A_307 = arith.constant 4 : i32
        %sub3A_308 = vector.broadcast %sub3A_307 : i32 to vector<16xi32>
        %sub3A_309 = arith.subi %shift_right_arithmetic3A_302, %sub3A_308 : vector<16xi32>
        %add3A_310 = arith.addi %get3A_67, %sub3A_309 : vector<16xi32>
        %jit3A_311 = arith.constant 0 : i32
        %jit3A_312 = arith.constant 255 : i32
        %max3A_313 = vector.broadcast %jit3A_311 : i32 to vector<16xi32>
        %max3A_314 = arith.maxsi %max3A_313, %add3A_310 : vector<16xi32>
        %min3A_315 = vector.broadcast %jit3A_312 : i32 to vector<16xi32>
        %min3A_316 = arith.minsi %min3A_315, %max3A_314 : vector<16xi32>
        %sub3A_317 = arith.constant 4 : i32
        %sub3A_318 = vector.broadcast %sub3A_317 : i32 to vector<16xi32>
        %sub3A_319 = arith.subi %sub3A_306, %sub3A_318 : vector<16xi32>
        %add3A_320 = arith.addi %get3A_69, %sub3A_319 : vector<16xi32>
        %jit3A_321 = arith.constant 0 : i32
        %jit3A_322 = arith.constant 255 : i32
        %max3A_323 = vector.broadcast %jit3A_321 : i32 to vector<16xi32>
        %max3A_324 = arith.maxsi %max3A_323, %add3A_320 : vector<16xi32>
        %min3A_325 = vector.broadcast %jit3A_322 : i32 to vector<16xi32>
        %min3A_326 = arith.minsi %min3A_325, %max3A_324 : vector<16xi32>
        %sub3A_327 = vector.broadcast %add3A_71 : i32 to vector<16xi32>
        %sub3A_328 = arith.subi %min3A_316, %sub3A_327 : vector<16xi32>
        %convert_element_type3A_329 = arith.sitofp %sub3A_328 : vector<16xi32> to vector<16xf32>
        %sub3A_330 = arith.subi %min3A_326, %add3A_76 : vector<16xi32>
        %convert_element_type3A_331 = arith.sitofp %sub3A_330 : vector<16xi32> to vector<16xf32>
        %add3A_332 = arith.constant 12 : i32
        %add3A_333 = arith.addi %mul3A_80, %add3A_332 : i32
        %add3A_334 = vector.broadcast %add3A_333 : i32 to vector<16xi32>
        %add3A_335 = arith.addi %mul3A_34, %add3A_334 : vector<16xi32>
        tpu.vector_store_idx %arg17[%add3A_335], %broadcast_in_dim3A_31 : memref<12288xf32, #tpu.memory_space<vmem>>[vector<16xi32>], vector<16xf32>,
        %add3A_336 = arith.constant 1 : i32
        %add3A_337 = vector.broadcast %add3A_336 : i32 to vector<16xi32>
        %add3A_338 = arith.addi %add3A_335, %add3A_337 : vector<16xi32>
        tpu.vector_store_idx %arg17[%add3A_338], %convert_element_type3A_331 : memref<12288xf32, #tpu.memory_space<vmem>>[vector<16xi32>], vector<16xf32>,
        %add3A_339 = arith.constant 2 : i32
        %add3A_340 = vector.broadcast %add3A_339 : i32 to vector<16xi32>
        %add3A_341 = arith.addi %add3A_335, %add3A_340 : vector<16xi32>
        tpu.vector_store_idx %arg17[%add3A_341], %convert_element_type3A_329 : memref<12288xf32, #tpu.memory_space<vmem>>[vector<16xi32>], vector<16xf32>,
        %mul3A_342 = arith.constant 8 : i32
        %mul3A_343 = arith.muli %add3A_64, %mul3A_342 : i32
        %add3A_344 = arith.constant 5 : i32
        %add3A_345 = arith.addi %mul3A_343, %add3A_344 : i32
        %mul3A_346 = arith.constant 16 : i32
        %mul3A_347 = arith.muli %add3A_345, %mul3A_346 : i32
        %get3A_348 = arith.index_cast %mul3A_347 : i32 to index
        %get3A_349 = tpu.vector_load %arg16[%get3A_348] {strides = array<i32>} : memref<16384xi32, #tpu.memory_space<vmem>>, vector<16xi32>,
        %mul3A_350 = arith.constant 7282 : i32
        %mul3A_351 = vector.broadcast %mul3A_350 : i32 to vector<16xi32>
        %mul3A_352 = arith.muli %get3A_349, %mul3A_351 : vector<16xi32>
        %shift_right_arithmetic3A_353 = arith.constant 16 : i32
        %shift_right_arithmetic3A_354 = vector.broadcast %shift_right_arithmetic3A_353 : i32 to vector<16xi32>
        %shift_right_arithmetic3A_355 = arith.shrsi %mul3A_352, %shift_right_arithmetic3A_354 : vector<16xi32>
        %mul3A_356 = arith.constant 9 : i32
        %mul3A_357 = vector.broadcast %mul3A_356 : i32 to vector<16xi32>
        %mul3A_358 = arith.muli %shift_right_arithmetic3A_355, %mul3A_357 : vector<16xi32>
        %sub3A_359 = arith.subi %get3A_349, %mul3A_358 : vector<16xi32>
        %sub3A_360 = arith.constant 4 : i32
        %sub3A_361 = vector.broadcast %sub3A_360 : i32 to vector<16xi32>
        %sub3A_362 = arith.subi %shift_right_arithmetic3A_355, %sub3A_361 : vector<16xi32>
        %add3A_363 = arith.addi %get3A_67, %sub3A_362 : vector<16xi32>
        %jit3A_364 = arith.constant 0 : i32
        %jit3A_365 = arith.constant 255 : i32
        %max3A_366 = vector.broadcast %jit3A_364 : i32 to vector<16xi32>
        %max3A_367 = arith.maxsi %max3A_366, %add3A_363 : vector<16xi32>
        %min3A_368 = vector.broadcast %jit3A_365 : i32 to vector<16xi32>
        %min3A_369 = arith.minsi %min3A_368, %max3A_367 : vector<16xi32>
        %sub3A_370 = arith.constant 4 : i32
        %sub3A_371 = vector.broadcast %sub3A_370 : i32 to vector<16xi32>
        %sub3A_372 = arith.subi %sub3A_359, %sub3A_371 : vector<16xi32>
        %add3A_373 = arith.addi %get3A_69, %sub3A_372 : vector<16xi32>
        %jit3A_374 = arith.constant 0 : i32
        %jit3A_375 = arith.constant 255 : i32
        %max3A_376 = vector.broadcast %jit3A_374 : i32 to vector<16xi32>
        %max3A_377 = arith.maxsi %max3A_376, %add3A_373 : vector<16xi32>
        %min3A_378 = vector.broadcast %jit3A_375 : i32 to vector<16xi32>
        %min3A_379 = arith.minsi %min3A_378, %max3A_377 : vector<16xi32>
        %sub3A_380 = vector.broadcast %add3A_71 : i32 to vector<16xi32>
        %sub3A_381 = arith.subi %min3A_369, %sub3A_380 : vector<16xi32>
        %convert_element_type3A_382 = arith.sitofp %sub3A_381 : vector<16xi32> to vector<16xf32>
        %sub3A_383 = arith.subi %min3A_379, %add3A_76 : vector<16xi32>
        %convert_element_type3A_384 = arith.sitofp %sub3A_383 : vector<16xi32> to vector<16xf32>
        %add3A_385 = arith.constant 15 : i32
        %add3A_386 = arith.addi %mul3A_80, %add3A_385 : i32
        %add3A_387 = vector.broadcast %add3A_386 : i32 to vector<16xi32>
        %add3A_388 = arith.addi %mul3A_34, %add3A_387 : vector<16xi32>
        tpu.vector_store_idx %arg17[%add3A_388], %broadcast_in_dim3A_31 : memref<12288xf32, #tpu.memory_space<vmem>>[vector<16xi32>], vector<16xf32>,
        %add3A_389 = arith.constant 1 : i32
        %add3A_390 = vector.broadcast %add3A_389 : i32 to vector<16xi32>
        %add3A_391 = arith.addi %add3A_388, %add3A_390 : vector<16xi32>
        tpu.vector_store_idx %arg17[%add3A_391], %convert_element_type3A_384 : memref<12288xf32, #tpu.memory_space<vmem>>[vector<16xi32>], vector<16xf32>,
        %add3A_392 = arith.constant 2 : i32
        %add3A_393 = vector.broadcast %add3A_392 : i32 to vector<16xi32>
        %add3A_394 = arith.addi %add3A_388, %add3A_393 : vector<16xi32>
        tpu.vector_store_idx %arg17[%add3A_394], %convert_element_type3A_382 : memref<12288xf32, #tpu.memory_space<vmem>>[vector<16xi32>], vector<16xf32>,
        %mul3A_395 = arith.constant 8 : i32
        %mul3A_396 = arith.muli %add3A_64, %mul3A_395 : i32
        %add3A_397 = arith.constant 6 : i32
        %add3A_398 = arith.addi %mul3A_396, %add3A_397 : i32
        %mul3A_399 = arith.constant 16 : i32
        %mul3A_400 = arith.muli %add3A_398, %mul3A_399 : i32
        %get3A_401 = arith.index_cast %mul3A_400 : i32 to index
        %get3A_402 = tpu.vector_load %arg16[%get3A_401] {strides = array<i32>} : memref<16384xi32, #tpu.memory_space<vmem>>, vector<16xi32>,
        %mul3A_403 = arith.constant 7282 : i32
        %mul3A_404 = vector.broadcast %mul3A_403 : i32 to vector<16xi32>
        %mul3A_405 = arith.muli %get3A_402, %mul3A_404 : vector<16xi32>
        %shift_right_arithmetic3A_406 = arith.constant 16 : i32
        %shift_right_arithmetic3A_407 = vector.broadcast %shift_right_arithmetic3A_406 : i32 to vector<16xi32>
        %shift_right_arithmetic3A_408 = arith.shrsi %mul3A_405, %shift_right_arithmetic3A_407 : vector<16xi32>
        %mul3A_409 = arith.constant 9 : i32
        %mul3A_410 = vector.broadcast %mul3A_409 : i32 to vector<16xi32>
        %mul3A_411 = arith.muli %shift_right_arithmetic3A_408, %mul3A_410 : vector<16xi32>
        %sub3A_412 = arith.subi %get3A_402, %mul3A_411 : vector<16xi32>
        %sub3A_413 = arith.constant 4 : i32
        %sub3A_414 = vector.broadcast %sub3A_413 : i32 to vector<16xi32>
        %sub3A_415 = arith.subi %shift_right_arithmetic3A_408, %sub3A_414 : vector<16xi32>
        %add3A_416 = arith.addi %get3A_67, %sub3A_415 : vector<16xi32>
        %jit3A_417 = arith.constant 0 : i32
        %jit3A_418 = arith.constant 255 : i32
        %max3A_419 = vector.broadcast %jit3A_417 : i32 to vector<16xi32>
        %max3A_420 = arith.maxsi %max3A_419, %add3A_416 : vector<16xi32>
        %min3A_421 = vector.broadcast %jit3A_418 : i32 to vector<16xi32>
        %min3A_422 = arith.minsi %min3A_421, %max3A_420 : vector<16xi32>
        %sub3A_423 = arith.constant 4 : i32
        %sub3A_424 = vector.broadcast %sub3A_423 : i32 to vector<16xi32>
        %sub3A_425 = arith.subi %sub3A_412, %sub3A_424 : vector<16xi32>
        %add3A_426 = arith.addi %get3A_69, %sub3A_425 : vector<16xi32>
        %jit3A_427 = arith.constant 0 : i32
        %jit3A_428 = arith.constant 255 : i32
        %max3A_429 = vector.broadcast %jit3A_427 : i32 to vector<16xi32>
        %max3A_430 = arith.maxsi %max3A_429, %add3A_426 : vector<16xi32>
        %min3A_431 = vector.broadcast %jit3A_428 : i32 to vector<16xi32>
        %min3A_432 = arith.minsi %min3A_431, %max3A_430 : vector<16xi32>
        %sub3A_433 = vector.broadcast %add3A_71 : i32 to vector<16xi32>
        %sub3A_434 = arith.subi %min3A_422, %sub3A_433 : vector<16xi32>
        %convert_element_type3A_435 = arith.sitofp %sub3A_434 : vector<16xi32> to vector<16xf32>
        %sub3A_436 = arith.subi %min3A_432, %add3A_76 : vector<16xi32>
        %convert_element_type3A_437 = arith.sitofp %sub3A_436 : vector<16xi32> to vector<16xf32>
        %add3A_438 = arith.constant 18 : i32
        %add3A_439 = arith.addi %mul3A_80, %add3A_438 : i32
        %add3A_440 = vector.broadcast %add3A_439 : i32 to vector<16xi32>
        %add3A_441 = arith.addi %mul3A_34, %add3A_440 : vector<16xi32>
        tpu.vector_store_idx %arg17[%add3A_441], %broadcast_in_dim3A_31 : memref<12288xf32, #tpu.memory_space<vmem>>[vector<16xi32>], vector<16xf32>,
        %add3A_442 = arith.constant 1 : i32
        %add3A_443 = vector.broadcast %add3A_442 : i32 to vector<16xi32>
        %add3A_444 = arith.addi %add3A_441, %add3A_443 : vector<16xi32>
        tpu.vector_store_idx %arg17[%add3A_444], %convert_element_type3A_437 : memref<12288xf32, #tpu.memory_space<vmem>>[vector<16xi32>], vector<16xf32>,
        %add3A_445 = arith.constant 2 : i32
        %add3A_446 = vector.broadcast %add3A_445 : i32 to vector<16xi32>
        %add3A_447 = arith.addi %add3A_441, %add3A_446 : vector<16xi32>
        tpu.vector_store_idx %arg17[%add3A_447], %convert_element_type3A_435 : memref<12288xf32, #tpu.memory_space<vmem>>[vector<16xi32>], vector<16xf32>,
        %mul3A_448 = arith.constant 8 : i32
        %mul3A_449 = arith.muli %add3A_64, %mul3A_448 : i32
        %add3A_450 = arith.constant 7 : i32
        %add3A_451 = arith.addi %mul3A_449, %add3A_450 : i32
        %mul3A_452 = arith.constant 16 : i32
        %mul3A_453 = arith.muli %add3A_451, %mul3A_452 : i32
        %get3A_454 = arith.index_cast %mul3A_453 : i32 to index
        %get3A_455 = tpu.vector_load %arg16[%get3A_454] {strides = array<i32>} : memref<16384xi32, #tpu.memory_space<vmem>>, vector<16xi32>,
        %mul3A_456 = arith.constant 7282 : i32
        %mul3A_457 = vector.broadcast %mul3A_456 : i32 to vector<16xi32>
        %mul3A_458 = arith.muli %get3A_455, %mul3A_457 : vector<16xi32>
        %shift_right_arithmetic3A_459 = arith.constant 16 : i32
        %shift_right_arithmetic3A_460 = vector.broadcast %shift_right_arithmetic3A_459 : i32 to vector<16xi32>
        %shift_right_arithmetic3A_461 = arith.shrsi %mul3A_458, %shift_right_arithmetic3A_460 : vector<16xi32>
        %mul3A_462 = arith.constant 9 : i32
        %mul3A_463 = vector.broadcast %mul3A_462 : i32 to vector<16xi32>
        %mul3A_464 = arith.muli %shift_right_arithmetic3A_461, %mul3A_463 : vector<16xi32>
        %sub3A_465 = arith.subi %get3A_455, %mul3A_464 : vector<16xi32>
        %sub3A_466 = arith.constant 4 : i32
        %sub3A_467 = vector.broadcast %sub3A_466 : i32 to vector<16xi32>
        %sub3A_468 = arith.subi %shift_right_arithmetic3A_461, %sub3A_467 : vector<16xi32>
        %add3A_469 = arith.addi %get3A_67, %sub3A_468 : vector<16xi32>
        %jit3A_470 = arith.constant 0 : i32
        %jit3A_471 = arith.constant 255 : i32
        %max3A_472 = vector.broadcast %jit3A_470 : i32 to vector<16xi32>
        %max3A_473 = arith.maxsi %max3A_472, %add3A_469 : vector<16xi32>
        %min3A_474 = vector.broadcast %jit3A_471 : i32 to vector<16xi32>
        %min3A_475 = arith.minsi %min3A_474, %max3A_473 : vector<16xi32>
        %sub3A_476 = arith.constant 4 : i32
        %sub3A_477 = vector.broadcast %sub3A_476 : i32 to vector<16xi32>
        %sub3A_478 = arith.subi %sub3A_465, %sub3A_477 : vector<16xi32>
        %add3A_479 = arith.addi %get3A_69, %sub3A_478 : vector<16xi32>
        %jit3A_480 = arith.constant 0 : i32
        %jit3A_481 = arith.constant 255 : i32
        %max3A_482 = vector.broadcast %jit3A_480 : i32 to vector<16xi32>
        %max3A_483 = arith.maxsi %max3A_482, %add3A_479 : vector<16xi32>
        %min3A_484 = vector.broadcast %jit3A_481 : i32 to vector<16xi32>
        %min3A_485 = arith.minsi %min3A_484, %max3A_483 : vector<16xi32>
        %sub3A_486 = vector.broadcast %add3A_71 : i32 to vector<16xi32>
        %sub3A_487 = arith.subi %min3A_475, %sub3A_486 : vector<16xi32>
        %convert_element_type3A_488 = arith.sitofp %sub3A_487 : vector<16xi32> to vector<16xf32>
        %sub3A_489 = arith.subi %min3A_485, %add3A_76 : vector<16xi32>
        %convert_element_type3A_490 = arith.sitofp %sub3A_489 : vector<16xi32> to vector<16xf32>
        %add3A_491 = arith.constant 21 : i32
        %add3A_492 = arith.addi %mul3A_80, %add3A_491 : i32
        %add3A_493 = vector.broadcast %add3A_492 : i32 to vector<16xi32>
        %add3A_494 = arith.addi %mul3A_34, %add3A_493 : vector<16xi32>
        tpu.vector_store_idx %arg17[%add3A_494], %broadcast_in_dim3A_31 : memref<12288xf32, #tpu.memory_space<vmem>>[vector<16xi32>], vector<16xf32>,
        %add3A_495 = arith.constant 1 : i32
        %add3A_496 = vector.broadcast %add3A_495 : i32 to vector<16xi32>
        %add3A_497 = arith.addi %add3A_494, %add3A_496 : vector<16xi32>
        tpu.vector_store_idx %arg17[%add3A_497], %convert_element_type3A_490 : memref<12288xf32, #tpu.memory_space<vmem>>[vector<16xi32>], vector<16xf32>,
        %add3A_498 = arith.constant 2 : i32
        %add3A_499 = vector.broadcast %add3A_498 : i32 to vector<16xi32>
        %add3A_500 = arith.addi %add3A_494, %add3A_499 : vector<16xi32>
        tpu.vector_store_idx %arg17[%add3A_500], %convert_element_type3A_488 : memref<12288xf32, #tpu.memory_space<vmem>>[vector<16xi32>], vector<16xf32>,
        %scan3A_501 = arith.constant 0 : i32
        scf.yield %scan3A_501 : i32
      }
      %scan3A_50 = arith.constant 32 : i32
      %sub3A = arith.constant 0 : i32
      %sub3A_51 = arith.subi %add3A_4, %sub3A : i32
      %mul3A_52 = arith.constant 2 : i32
      %mul3A_53 = arith.muli %scan3A_42, %mul3A_52 : i32
      %add3A_54 = arith.addi %sub3A_51, %mul3A_53 : i32
      %mul3A_55 = arith.constant 256 : i32
      %mul3A_56 = arith.muli %add3A_54, %mul3A_55 : i32
      %mul3A_57 = arith.constant 24 : i32
      %mul3A_58 = arith.muli %mul3A_56, %mul3A_57 : i32
      "tpu.region"() ({
        %run_scoped3A = tpu.sem_alloc : memref<!tpu.dma_semaphore, #tpu.memory_space<semaphore_mem>>
        %dma_start3A = tpu.memref_slice %arg6[%mul3A_58] : memref<1572864xf32, #tpu.memory_space<hbm>> -> memref<12288xf32, #tpu.memory_space<hbm>>
        %dma_start3A_60 = tpu.memref_slice %arg6[%mul3A_58] : memref<1572864xf32, #tpu.memory_space<hbm>> -> memref<12288xf32, #tpu.memory_space<hbm>>
        tpu.enqueue_dma source(%arg17 : memref<12288xf32, #tpu.memory_space<vmem>>) target(%dma_start3A_60 : memref<12288xf32, #tpu.memory_space<hbm>>) target_semaphore(%run_scoped3A : memref<!tpu.dma_semaphore, #tpu.memory_space<semaphore_mem>>)
        %dma_wait3A = tpu.memref_slice %arg6[%mul3A_58] : memref<1572864xf32, #tpu.memory_space<hbm>> -> memref<12288xf32, #tpu.memory_space<hbm>>
        %dma_wait3A_61 = tpu.memref_slice %arg6[%mul3A_58] : memref<1572864xf32, #tpu.memory_space<hbm>> -> memref<12288xf32, #tpu.memory_space<hbm>>
        tpu.wait_dma2 semaphore(%run_scoped3A : memref<!tpu.dma_semaphore, #tpu.memory_space<semaphore_mem>>) src(%arg17 : memref<12288xf32, #tpu.memory_space<vmem>>) dst(%dma_wait3A_61 : memref<12288xf32, #tpu.memory_space<hbm>>)
        tpu.yield
      }) : () -> ()
      %scan3A_59 = arith.constant 0 : i32
      scf.yield %scan3A_59 : i32
    }
    %scan3A_41 = arith.constant 4 : i32
    return
  }
}

</mosaic_0001>

<sc_bundles>
// kernel: _sc_align_t.3.cloned.1.call-start
scs
__scs_entry_jumppad:
0x0: {  	(pc) =	sbr.rel $0x88, $3  }
0x1: {  	(tag) =	ssettag $0x0;
	lr =	simm.s32 $0x1  }
0x2: {  	[smem:$0x3F9D] =	sst lr;
	_ =	strace $0xD0000000  }
0x3: {  	_ = 	snop  }
0x4: {  	_ = 	snop  }
0x5: {  	_ = 	snop  }
0x6: {  	_ = 	snop  }
0x7: {  	_ = 	snop  }
__scs_overlays_trampoline_lowered:
0x8: {  	[smem:$0x3FAC] =	sst s0  }
0x9: {  	[smem:$0x3FAD] =	sst s1  }
0xa: {  	[smem:$0x3FAE] =	sst s2  }
0xb: {  	[smem:$0x3FAF] =	sst s3  }
0xc: {  	[smem:$0x3FB0] =	sst s4  }
0xd: {  	[smem:$0x3FB1] =	sst s5  }
0xe: {  	[smem:$0x3FB2] =	sst s6  }
0xf: {  	[smem:$0x3FB3] =	sst s7  }
0x10: {  	[smem:$0x3FB4] =	sst s8  }
0x11: {  	[smem:$0x3FB5] =	sst s9;
	s0 =	simm.s32 @!p0 $0x0  }
0x12: {  	s1 =	sld [smem:$0x3F9B];
	s0 =	simm.s32 @p0 $0x1  }
0x13: {  	[smem:$0x3FB6] =	sst s0;
	s0 =	simm.s32 @!p1 $0x0  }
0x14: {  	s2 =	sld [smem:$0x3F9A];
	s0 =	simm.s32 @p1 $0x1  }
0x15: {  	[smem:$0x3FB7] =	sst s0;
	s0 =	simm.s32 @!p2 $0x0  }
0x16: {  	s3 =	sld [smem:$0x3FDB];
	s0 =	simm.s32 @p2 $0x1  }
0x17: {  	s4 =	simm.s32 $0x1BF5;
	[smem:$0x3FB9] =	sst s0  }
0x18: {  	s0 =	sld [smem:$0x3F9C];
	_ =	swait.ge [sflag:s4], $0x0  }
0x19: {  	s7 =	sld [smem:$0x3F9D]  }
0x1a: {  	s8 =	sadd.s32 $0xFFFFE003, lr  }
0x1b: {  	s9 =	sadd.s32 $0xFFFFFEF7, lr;
	s5 =	simm.s32 $0xFFFFFFFF;
	p2 =	slt.u32 s8, $0xFFFFF086  }
0x1c: {  	p1 =	slt.u32 s9, $0xF7A;
	s5 =	simm.s32 @!p2 $0x0  }
0x1d: {  	s5 =	simm.s32 @p1 $0x1;
	p0 =	seq.s32 s7, s2  }
0x1e: {  	s7 =	smul.u32 @!p0 $0xF7A, s2;
	p2 =	seq.s32 @!p0 s5, $0x0  }
0x1f: {  	s9 =	smul.u32 $0xF7A, s1;
	s8 =	simm.s32 @!p0 $0x1BF5;
	p2 =	por !p2, p0  }
0x20: {  	[sflag:s8] =	ssyncset.s32 @!p0 $0xFFFFF086;
	s6 =	sadd.s32 @!p0 s3, s7;
	s7 =	simm.s32 @!p0 $0x108  }
0x21: {  	s3 =	sadd.s32 s3, s9;
	s6 =	sadd.s32 @!p0 $0x88, s6;
	s7 =	simm.s32 @p2 $0x1082  }
0x22: {  	[simem:s7], [sflag:s8] =	dma.local @!p0 [hbm:s6], $0xF7A  }
0x23: {  	s9 =	sor.u32 $0xD0000000, s2;
	s6 =	simm.s32 $0x108;
	_ =	swait.ge @!p0 [sflag:s8], $0x0  }
0x24: {  	s3 =	sadd.s32 $0x88, s3;
	s6 =	simm.s32 @!p1 $0x1082;
	[sflag:s4] =	ssyncset.s32 $0xFFFFF086  }
0x25: {  	[simem:s6], [sflag:s4] =	dma.local [hbm:s3], $0xF7A  }
0x26: {  	[smem:$0x3F9D] =	sst s1;
	(tag) =	ssettag s2;
	_ =	strace s9  }
0x27: {  	s1 =	sld [smem:$0x3FAD]  }
0x28: {  	s2 =	sld [smem:$0x3FAE]  }
0x29: {  	s4 =	sld [smem:$0x3FB0]  }
0x2a: {  	p0 =	seq.s32 s5, $0x0;
	s5 =	sld [smem:$0x3FB1]  }
0x2b: {  	s6 =	sld [smem:$0x3FB2]  }
0x2c: {  	s7 =	sld [smem:$0x3FB3]  }
0x2d: {  	s3 =	simm.s32 $0x108;
	s8 =	sld [smem:$0x3FB4]  }
0x2e: {  	s3 =	simm.s32 @!p0 $0x1082;
	s9 =	sld [smem:$0x3FB5]  }
0x2f: {  	lr =	sadd.s32 s0, s3;
	s0 =	sld [smem:$0x3FAC]  }
0x30: {  	s3 =	sld [smem:$0x3FAF]  }
0x31: {  	[smem:$0x3FB8] =	sst s10  }
0x32: {  	s10 =	sld [smem:$0x3FB6];
	_ =	sdelay $0x3  }
0x33: {  	p0 =	seq.s32 s10, $0x1;
	s10 =	sld [smem:$0x3FB8];
	_ =	sdelay $0x3  }
0x34: {  	[smem:$0x3FB8] =	sst s10  }
0x35: {  	s10 =	sld [smem:$0x3FB7];
	_ =	sdelay $0x3  }
0x36: {  	p1 =	seq.s32 s10, $0x1;
	s10 =	sld [smem:$0x3FB8];
	_ =	sdelay $0x3  }
0x37: {  	[smem:$0x3FB8] =	sst s10  }
0x38: {  	s10 =	sld [smem:$0x3FB9]  }
0x39: {  	_ = 	snop;
	(pc) =	sbr.ind lr, $3  }
0x3a: {  	_ = 	snop  }
0x3b: {  	_ = 	snop  }
0x3c: {  	p2 =	seq.s32 s10, $0x1;
	s10 =	sld [smem:$0x3FB8]  }
0x3d: {  	_ =	shalt  }
0x3e: {  	_ =	shalt  }
0x3f: {  	_ =	shalt  }
0x40: {  	_ =	shalt  }
0x41: {  	_ =	shalt  }
0x42: {  	_ =	shalt  }
0x43: {  	_ =	shalt  }
0x44: {  	_ =	shalt  }
0x45: {  	_ =	shalt  }
0x46: {  	_ =	shalt  }
0x47: {  	_ =	shalt  }
0x48: {  	_ =	shalt  }
0x49: {  	_ =	shalt  }
0x4a: {  	_ =	shalt  }
0x4b: {  	_ =	shalt  }
0x4c: {  	_ =	shalt  }
0x4d: {  	_ =	shalt  }
0x4e: {  	_ =	shalt  }
0x4f: {  	_ =	shalt  }
0x50: {  	_ =	shalt  }
0x51: {  	_ =	shalt  }
0x52: {  	_ =	shalt  }
0x53: {  	_ =	shalt  }
0x54: {  	_ =	shalt  }
0x55: {  	_ =	shalt  }
0x56: {  	_ =	shalt  }
0x57: {  	_ =	shalt  }
0x58: {  	_ =	shalt  }
0x59: {  	_ =	shalt  }
0x5a: {  	_ =	shalt  }
0x5b: {  	_ =	shalt  }
0x5c: {  	_ =	shalt  }
0x5d: {  	_ =	shalt  }
0x5e: {  	_ =	shalt  }
0x5f: {  	_ =	shalt  }
0x60: {  	_ =	shalt  }
0x61: {  	_ =	shalt  }
0x62: {  	_ =	shalt  }
0x63: {  	_ =	shalt  }
0x64: {  	_ =	shalt  }
0x65: {  	_ =	shalt  }
0x66: {  	_ =	shalt  }
0x67: {  	_ =	shalt  }
0x68: {  	_ =	shalt  }
0x69: {  	_ =	shalt  }
0x6a: {  	_ =	shalt  }
0x6b: {  	_ =	shalt  }
0x6c: {  	_ =	shalt  }
0x6d: {  	_ =	shalt  }
0x6e: {  	_ =	shalt  }
0x6f: {  	_ =	shalt  }
0x70: {  	_ =	shalt  }
0x71: {  	_ =	shalt  }
0x72: {  	_ =	shalt  }
0x73: {  	_ =	shalt  }
0x74: {  	_ =	shalt  }
0x75: {  	_ =	shalt  }
0x76: {  	_ =	shalt  }
0x77: {  	_ =	shalt  }
0x78: {  	_ =	shalt  }
0x79: {  	_ =	shalt  }
0x7a: {  	_ =	shalt  }
0x7b: {  	_ =	shalt  }
0x7c: {  	_ =	shalt  }
0x7d: {  	_ =	shalt  }
0x7e: {  	_ =	shalt  }
0x7f: {  	_ =	shalt  }
0x80: {  	_ =	shalt  }
0x81: {  	_ =	shalt  }
0x82: {  	_ =	shalt  }
0x83: {  	_ =	shalt  }
0x84: {  	_ =	shalt  }
0x85: {  	_ =	shalt  }
0x86: {  	_ =	shalt  }
0x87: {  	_ =	shalt  }
.Lfunc_end0:
.L_simem_size_0:
called_computation_lowered:
.L_overlay_start_0:
0x88: {  	s2 =	sld [smem:$0x3FD9]  }
0x89: {  	s3 =	sld [smem:$0x3FFE];
	_ =	sdelay $0x1  }
0x8a: {  	s1 =	srdreg.scid  }
0x8b: {  	s0 =	sand.u32 $0x1, s1  }
0x8c: {  	s18 =	sshll.u32 s0, $0xA;
	s2 =	sadd.s32 s3, s2  }
0x8d: {  	s2 =	sadd.s32 s2, s18  }
0x8e: {  	[smem:$0x3FC4] =	sst s2  }
0x8f: {  	_ = 	snop  }
0x90: {  	s2 =	sld [smem:$0x3FC9]  }
0x91: {  	s19 =	sld [smem:$0x3FC8]  }
0x92: {  	s4 =	sld [smem:$0x3FC7]  }
0x93: {  	s5 =	sld [smem:$0x3FC6]  }
0x94: {  	s6 =	sld [smem:$0x3FD0];
	(tm) =	ssettm $0x1  }
0x95: {  	s7 =	sld [smem:$0x3FFB];
	_ =	sdelay $0x3  }
0x96: {  	_ =	strace s7  }
0x97: {  	s7 =	sld [smem:$0x3FFC];
	_ =	sdelay $0x3  }
0x98: {  	_ =	strace s7  }
0x99: {  	s7 =	sld [smem:$0x3FFD];
	_ =	sdelay $0x3  }
0x9a: {  	_ =	strace s7  }
0x9b: {  	_ =	strace $0x8FFFFFFF  }
0x9c: {  	s20 =	sld [smem:$0x3FDB];
	_ =	sdelay $0x1  }
0x9d: {  	s8 =	simm.s32 $_scs_section_size  }
0x9e: {  	s9 =	simm.s32 $_size__tile_overlayer_lowered;
	s10 =	simm.s32 $_tile_overlayer_lowered  }
0x9f: {  	s23 =	simm.s32 $0x1BFF;
	s22 =	sshll.u32 s10, $0x1;
	s7 =	sadd.s32 s8, s20  }
0xa0: {  	s11 =	simm.s32 $0x0;
	s21 =	sshll.u32 s9, $0x1;
	s9 =	sadd.s32 s22, s7  }
0xa1: {  	[timem:s11], [sflag:s23] =	dma.local [hbm:s9], s21  }
0xa2: {  	_ =	swait.ge [sflag:s23], s21  }
0xa3: {  	s8 =	ssub.s32 $0x0, s21;
	[sflag:s23] =	ssyncset.done $0x0  }
0xa4: {  	[sflag:s23] =	ssyncadd.s32 s8;
	_ =	sdelay $0x1  }
0xa5: {  	s24 =	simm.s32 $0x1B8B  }
0xa6: {  	_ =	swait.ge [sflag:s24], $0x1  }
0xa7: {  	[sflag:s24] =	ssyncset.done $0x0  }
0xa8: {  	s25 =	simm.s32 $0x1B8E;
	[sflag:s24] =	ssyncadd.s32 $0xFFFFFFFF  }
0xa9: {  	s26 =	simm.s32 $execute0_lowered;
	[smem:$0x3FD2] =	sst s25  }
0xaa: {  	s8 =	sshll.u32 s26, $0x1;
	_ =	strace $0x80000046;
	[dreg:$0x1] =	wrdreg $0xFFFFFFFF  }
0xab: {  	s28 =	simm.s32 $_size_execute0_lowered;
	s7 =	sadd.s32 s7, s8;
	[dreg:$0x0] =	wrdreg $0x0  }
0xac: {  	s8 =	sshll.u32 s28, $0x1;
	[dreg:$0x2] =	wrdreg s7  }
0xad: {  	[dreg:$0x3] =	wrdreg s8  }
0xae: {  	[dreg:$0x4] =	wrdreg $0xC0  }
0xaf: {  	_ =	task [dreg:s11], $0x5FFFF  }
0xb0: {  	[dreg:$0x1] =	wrdreg $0xFFFFFFFF  }
0xb1: {  	[dreg:$0x0] =	wrdreg $0x60  }
0xb2: {  	[dreg:$0x2] =	wrdreg s2  }
0xb3: {  	[dreg:$0x3] =	wrdreg s19  }
0xb4: {  	[dreg:$0x4] =	wrdreg s4  }
0xb5: {  	[dreg:$0x5] =	wrdreg s5  }
0xb6: {  	[dreg:$0x6] =	wrdreg s6  }
0xb7: {  	[dreg:$0x7] =	wrdreg $0x9  }
0xb8: {  	_ =	task.clear_ibuf [dreg:s11], $0x8FFFF;
	_ =	strace $0x90000046  }
0xb9: {  	s29 =	simm.s32 $0x9;
	_ =	strace $0x80000048  }
0xba: {  	_ =	swait.ge [sflag:s29], $0x1  }
0xbb: {  	[sflag:s29] =	ssyncadd.s32 $0xFFFFFFFF  }
0xbc: {  	_ =	strace $0x90000048  }
0xbd: {  	_ =	sfence  }
0xbe: {  	s30 =	sld [smem:$0x0];
	_ =	sdelay $0x2  }
0xbf: {  	s31 =	sshll.u32 s1, $0xD;
	s1 =	sshrl.u32 s1, $0x2  }
0xc0: {  	s3 =	sand.u32 $0x4000, s31;
	s1 =	sadd.s32 s1, s30  }
0xc1: {  	s0 =	sor.u32 s3, s0;
	s1 =	sshll.u32 s1, $0x11  }
0xc2: {  	s0 =	sor.u32 s1, s0  }
0xc3: {  	s0 =	sadd.s32 $0x8F2B, s0  }
0xc4: {  	[sflag:s0] =	ssyncadd.remote.s32 $0x1  }
0xc5: {  	_ =	sfence.sel $0xFFFF  }
0xc6: {  	[dreg:$0x0] =	wrdreg $0xFFFFFFFF;
	(pc) =	sbr.abs _section_cstart, $3  }
0xc7: {  	[dreg:$0x1] =	wrdreg $0xFFFFFFFF  }
0xc8: {  	_ =	task.clear_ibuf [dreg:s11], $0x2FFFF;
	_ =	strace $0x9FFFFFFF  }
0xc9: {  	(tm) =	ssettm $0x7FFFFFFF  }
tec
execute0_lowered:
.L_overlay_start_1:
0x0: {  	(tag) =	ssettag $0x1  }
0x1: {  	s1 =	rddreg [dreg:$0x0];
	v1 =	vimm.s32 $0x8705840  }
0x2: {  	s0 =	rddreg [dreg:$0x1];
	v0 =	vlaneseq.u32;
	v55 =	vimm.s32 $0x68503820;
	v56 =	vimm.s32 $0x48301800  }
0x3: {  	s3 =	rddreg [dreg:$0x2];
	v4 =	vimm.s32 $0x28107860;
	vm0 =	vcmask $0x1F10;
	v58 =	vimm.s32 $0x9715941  }
0x4: {  	s6 =	rddreg [dreg:$0x3];
	v59 =	vimm.s32 $0x69513921;
	v62 =	vimm.s32 $0x49311901;
	v6 =	vimm.s32 $0x29117961  }
0x5: {  	s2 =	rddreg [dreg:$0x4];
	v7 =	vimm.s32 $0xA725A42;
	v8 =	vimm.s32 $0x6A523A22;
	v9 =	vimm.s32 $0x4A321A02  }
0x6: {  	s5 =	srdreg.scid;
	s7 =	stileid.u32;
	v10 =	vimm.s32 $0x2A127A62;
	v2 =	vunpack.c.0.s8.s32 v1;
	v3 =	vunpack.c.0.s8.s32 v55  }
0x7: {  	s4 =	simm.s32 $0x0;
	v5 =	vunpack.c.0.s8.s32 v56;
	v4 =	vunpack.c.0.s8.s32 v4;
	s5 =	sand.u32 $0x1, s5;
	s7 =	sshll.u32 s7, $0x1;
	v14 =	vmul.u32 $0x18, v0  }
0x8: {  	s15 =	simm.s32 $0x1;
	s20 =	simm.s32 $0x5600;
	v60 =	vunpack.c.0.s8.s32 v58;
	v61 =	vunpack.c.0.s8.s32 v59;
	v6 =	vunpack.c.0.s8.s32 v6;
	s7 =	sor.u32 s5, s7  }
0x9: {  	s21 =	simm.s32 $0xAC00;
	s22 =	simm.s32 $0x1AA00;
	v7 =	vunpack.c.0.s8.s32 v7;
	v8 =	vunpack.c.0.s8.s32 v8;
	v9 =	vunpack.c.0.s8.s32 v9;
	s10 =	sshll.u32 s7, $0x8  }
0xa: {  	s23 =	simm.s32 $0x0;
	[smem:$0x7FF] =	sst s4;
	v10 =	vunpack.c.0.s8.s32 v10;
	v2 =	vsel vm0, v3, v2;
	v57 =	vsel vm0, v4, v5;
	s1 =	sadd.s32 s1, s10  }
0xb: {  	_ =	strace $0x80000047;
	v5 =	vunpack.c.0.s8.s32 v62;
	v7 =	vsel vm0, v8, v7;
	v17 =	vor.u32 $0x1, v14;
	[tilespmem:$0x1FFA0] =	vst v14;
	s29 =	sadd.s32 s3, s10;
	[dreg:$0x6] =	wrdreg s1  }
0xc: {  	s8 =	ssub.s32 $0x2, s5;
	v63 =	vsel vm0, v10, v9;
	v19 =	vor.u32 $0x2, v14;
	v15 =	vcombine.low v57, v2;
	s30 =	sadd.s32 s6, s10;
	[tilespmem:$0x1FFC0] =	vst v17;
	[dreg:$0x9] =	wrdreg s29  }
0xd: {  	s26 =	sshrl.u32 s8, $0x1;
	v11 =	vsel vm0, v61, v60;
	v20 =	vcombine.low v63, v7;
	[tilespmem:$0x1FFE0] =	vst v19;
	s28 =	sadd.s32 $0x2000, s1;
	[dreg:$0xa] =	wrdreg s30;
	v5 =	vsel vm0, v6, v5  }
0xe: {  	s11 =	ssub.s32 s8, s26;
	s1 =	sadd.s32 $0x4000, s1;
	[dreg:$0x7] =	wrdreg s28;
	v18 =	vcombine.low v5, v11;
	[tilespmem:$0x1FFB0] =	vst v15  }
0xf: {  	s12 =	sadd.s32 $0x4000, s0;
	s31 =	smax.u32 s11, $0x1;
	[dreg:$0x8] =	wrdreg s1;
	[tilespmem:$0x1FFF0] =	vst v20  }
0x10: {  	s9 =	sshll.u32 s7, $0x3;
	s8 =	sadd.s32 $0x2000, s0;
	[dreg:$0xb] =	wrdreg s31;
	[tilespmem:$0x1FFD0] =	vst v18  }
.LBB2_1:
0x11: {  	s1 =	rddreg [dreg:$0x6];
	s3 =	simm.s32 $0x10200  }
0x12: {  	[tilespmem:s3], [sflag:$0x1] =	stream.linear.gather [hbm4b:s1+s4], $0x800, $0x38;
	[tilespmem:$0x1DA00] =	vst v63  }
0x13: {  	_ =	swait.ge [sflag:s15], $0x800  }
0x14: {  	[sflag:s15] =	ssyncset.done $0x0  }
0x15: {  	s24 =	simm.s32 $0x10A00;
	s19 =	rddreg [dreg:$0x7];
	[sflag:s15] =	ssyncadd.s32 $0xFFFFF800  }
0x16: {  	[tilespmem:s24], [sflag:$0x1] =	stream.linear.gather [hbm4b:s19+s4], $0x800, $0x38;
	[tilespmem:$0x1DA00] =	vst v63  }
0x17: {  	_ =	swait.ge [sflag:s15], $0x800  }
0x18: {  	[sflag:s15] =	ssyncset.done $0x0  }
0x19: {  	s26 =	simm.s32 $0x11200;
	s25 =	rddreg [dreg:$0x8];
	[sflag:s15] =	ssyncadd.s32 $0xFFFFF800  }
0x1a: {  	[tilespmem:s26], [sflag:$0x1] =	stream.linear.gather [hbm4b:s25+s4], $0x800, $0x38;
	[tilespmem:$0x1DA00] =	vst v63  }
0x1b: {  	_ =	swait.ge [sflag:s15], $0x800  }
0x1c: {  	[sflag:s15] =	ssyncset.done $0x0  }
0x1d: {  	s29 =	simm.s32 $0x11A00;
	s28 =	rddreg [dreg:$0x9];
	[sflag:s15] =	ssyncadd.s32 $0xFFFFF800  }
0x1e: {  	[tilespmem:s29], [sflag:$0x1] =	stream.linear.gather [hbm4b:s28+s4], $0x800, $0x38;
	[tilespmem:$0x1DA00] =	vst v63  }
0x1f: {  	_ =	swait.ge [sflag:s15], $0x800  }
0x20: {  	s31 =	simm.s32 $0x12200;
	[sflag:s15] =	ssyncset.done $0x0  }
.Ltmp0:
0x21: {  	s30 =	rddreg [dreg:$0xa];
	[sflag:s15] =	ssyncadd.s32 $0xFFFFF800;
	(pc) =	sbr.rel .LBB2_2-.Ltmp0, $4  }
0x22: {  	[tilespmem:s31], [sflag:$0x1] =	stream.linear.gather [hbm4b:s30+s4], $0x800, $0x38;
	[tilespmem:$0x1DA00] =	vst v63  }
0x23: {  	_ =	swait.ge [sflag:s15], $0x800  }
0x24: {  	[sflag:s15] =	ssyncset.done $0x0  }
0x25: {  	s24 =	simm.s32 $0x0;
	[sflag:s15] =	ssyncadd.s32 $0xFFFFF800  }
.LBB2_8:
0x26: {  	s24 =	sadd.s32 $0x1, s24  }
0x27: {  	p0 =	sne.s32 s24, $0x3  }
.Ltmp1:
0x28: {  	_ = 	snop;
	(pc) =	sbr.rel @!p0 .LBB2_9-.Ltmp1, $1  }
0x29: {  	_ =	sdelay $0x3  }
.LBB2_2:
0x2a: {  	s1 =	smul.u32 $0x56, s24;
	_ =	sdelay $0x1  }
0x2b: {  	p0 =	seq.s32 s24, $0x2;
	s3 =	smov.u32 s1  }
0x2c: {  	s3 =	simm.s32 @p0 $0xAA  }
0x2d: {  	s6 =	sshll.u32 s3, $0x5  }
0x2e: {  	s25 =	simm.s32 $0x0;
	s7 =	sadd.s32 s0, s6  }
0x2f: {  	[tilespmem:s25], [sflag:$0x1] =	stream.linear.gather [hbm4b:s7+s25], $0x5600, $0x38;
	[tilespmem:$0x1DA00] =	vst v63  }
0x30: {  	_ =	swait.ge [sflag:s15], $0x5600  }
0x31: {  	[sflag:s15] =	ssyncset.done $0x0  }
0x32: {  	s31 =	sadd.s32 s6, s8;
	[sflag:s15] =	ssyncadd.s32 $0xFFFFAA00  }
0x33: {  	[tilespmem:s20], [sflag:$0x1] =	stream.linear.gather [hbm4b:s31+s25], $0x5600, $0x38;
	[tilespmem:$0x1DA00] =	vst v63  }
0x34: {  	_ =	swait.ge [sflag:s15], $0x5600  }
0x35: {  	[sflag:s15] =	ssyncset.done $0x0  }
.Ltmp2:
0x36: {  	s6 =	sadd.s32 s6, s12;
	[sflag:s15] =	ssyncadd.s32 $0xFFFFAA00;
	(pc) =	sbr.rel .LBB2_3-.Ltmp2, $4  }
0x37: {  	[tilespmem:s21], [sflag:$0x1] =	stream.linear.gather [hbm4b:s6+s25], $0x5600, $0x38;
	[tilespmem:$0x1DA00] =	vst v63  }
0x38: {  	s6 =	sadd.s32 $0x56, s1;
	_ =	swait.ge [sflag:s15], $0x5600  }
0x39: {  	s6 =	simm.s32 @p0 $0x100;
	[sflag:s15] =	ssyncset.done $0x0  }
0x3a: {  	v63 =	vmov s1;
	v0 =	vmov s3;
	v9 =	vmov s6;
	[sflag:s15] =	ssyncadd.s32 $0xFFFFAA00  }
.LBB2_6:
0x3b: {  	v0 =	vsel vm1, v51, v48;
	v1 =	vsel vm1, v48, v51  }
0x3c: {  	v2 =	vsel vm0, v52, v49;
	v3 =	vsel vm0, v49, v52;
	vm15 =	vlt.f32 v45, v44  }
0x3d: {  	vm6 =	vlt.f32 v2, v0;
	v4 =	vsel vm15, v54, v50;
	vm2 =	vlt.f32 v3, v40  }
0x3e: {  	s5 =	sadd.s32 $0xFFFFFFFE, s17;
	vm3 =	vlt.f32 v42, v1;
	v5 =	vsel vm15, v50, v54;
	v12 =	vsel vm15, v45, v44  }
0x3f: {  	v23 =	vsel vm15, v44, v45;
	v6 =	vsel vm6, v56, v53;
	v7 =	vnsel vm3, s5, v47  }
0x40: {  	v8 =	vsel vm6, v53, v56;
	v10 =	vsel vm2, v55, v46;
	v11 =	vsel vm2, v46, v55  }
0x41: {  	v13 =	vsel vm6, v2, v0;
	v14 =	vsel vm3, s5, v47;
	v0 =	vsel vm6, v0, v2  }
0x42: {  	v2 =	vsel vm3, v1, v42;
	v16 =	vsel vm2, v3, v40;
	v3 =	vsel vm2, v40, v3  }
0x43: {  	v1 =	vsel vm3, v42, v1;
	vm7 =	vlt.f32 v13, v12;
	vm8 =	vlt.f32 v16, v41  }
0x44: {  	vm9 =	vlt.f32 v1, v0;
	vm10 =	vlt.f32 v3, v23;
	v17 =	vsel vm7, v6, v4  }
0x45: {  	v4 =	vsel vm7, v4, v6;
	v46 =	vsel vm8, v10, v43;
	v10 =	vsel vm8, v43, v10  }
0x46: {  	v18 =	vsel vm10, v5, v11;
	v20 =	vsel vm9, v14, v8;
	v8 =	vsel vm9, v8, v14  }
0x47: {  	v5 =	vsel vm10, v11, v5;
	v11 =	vsel vm7, v13, v12;
	v12 =	vsel vm7, v12, v13  }
0x48: {  	v47 =	vsel vm10, v23, v3;
	v48 =	vsel vm8, v16, v41;
	v21 =	vsel vm9, v1, v0  }
0x49: {  	v16 =	vsel vm8, v41, v16;
	v0 =	vsel vm9, v0, v1;
	v1 =	vsel vm10, v3, v23  }
0x4a: {  	vm11 =	vlt.f32 v21, v48;
	vm1 =	vlt.f32 v2, v16;
	vm2 =	vlt.f32 v1, v0  }
0x4b: {  	v3 =	vsel vm11, v20, v46;
	v6 =	vsel vm11, v46, v20;
	v33 =	vsel vm1, v7, v10  }
0x4c: {  	v49 =	vsel vm2, v8, v5;
	v50 =	vsel vm11, v21, v48;
	v7 =	vsel vm1, v10, v7  }
0x4d: {  	v5 =	vsel vm2, v5, v8;
	v8 =	vsel vm11, v48, v21;
	v10 =	vsel vm1, v2, v16  }
0x4e: {  	v51 =	vsel vm2, v0, v1;
	v2 =	vsel vm1, v16, v2;
	v0 =	vsel vm2, v1, v0  }
0x4f: {  	vm12 =	vlt.f32 v50, v11;
	vm13 =	vlt.f32 v8, v12;
	vm2 =	vlt.f32 v0, v10  }
0x50: {  	vm14 =	vlt.f32 v47, v2;
	v1 =	vsel vm12, v3, v17;
	v3 =	vsel vm12, v17, v3  }
0x51: {  	v52 =	vsel vm13, v6, v4;
	v4 =	vsel vm13, v4, v6;
	v53 =	vsel vm2, v5, v33  }
0x52: {  	v5 =	vsel vm2, v33, v5;
	v54 =	vsel vm12, v50, v11;
	v11 =	vsel vm12, v11, v50  }
0x53: {  	v7 =	vsel vm14, v18, v7;
	v55 =	vsel vm13, v8, v12;
	v8 =	vsel vm13, v12, v8  }
0x54: {  	v2 =	vsel vm14, v47, v2;
	v56 =	vsel vm2, v0, v10;
	v0 =	vsel vm2, v10, v0  }
0x55: {  	vm15 =	vlt.f32 v51, v2;
	vm4 =	vlt.f32 v56, v55;
	vm2 =	vlt.f32 v0, v8  }
0x56: {  	vm12 =	vlt.f32 v54, v22;
	v10 =	vsel vm15, v7, v49;
	v57 =	vsel vm4, v53, v52  }
0x57: {  	v6 =	vsel vm4, v52, v53;
	v58 =	vsel vm2, v5, v4;
	v4 =	vsel vm2, v4, v5  }
0x58: {  	v59 =	vsel vm15, v2, v51;
	v7 =	vsel vm15, v49, v7;
	v60 =	vsel vm4, v56, v55  }
0x59: {  	v12 =	vsel vm4, v55, v56;
	v61 =	vsel vm2, v0, v8;
	v0 =	vsel vm2, v8, v0  }
0x5a: {  	v2 =	vsel vm15, v51, v2;
	v1 =	vsel vm12, v1, v24;
	vm5 =	vlt.f32 v60, v11  }
0x5b: {  	vm6 =	vlt.f32 v61, v12;
	vm2 =	vlt.f32 v2, v0;
	vm9 =	vlt.f32 v59, v35  }
0x5c: {  	v8 =	vsel vm5, v57, v3;
	v3 =	vsel vm5, v3, v57;
	v62 =	vsel vm6, v58, v6  }
0x5d: {  	v6 =	vsel vm6, v6, v58;
	v20 =	vsel vm5, v60, v11;
	v23 =	vsel vm2, v7, v4  }
0x5e: {  	v4 =	vsel vm2, v4, v7;
	v33 =	vsel vm5, v11, v60;
	v11 =	vsel vm6, v12, v61  }
0x5f: {  	v12 =	vsel vm6, v61, v12;
	v34 =	vsel vm2, v2, v0;
	v0 =	vsel vm2, v0, v2  }
0x60: {  	v5 =	vsel vm9, v59, v35;
	v10 =	vsel vm9, v10, v19;
	vm7 =	vlt.f32 v11, v38  }
0x61: {  	vm8 =	vlt.f32 v20, v37;
	vm1 =	vlt.f32 v33, v36;
	vm10 =	vlt.f32 v0, v32  }
0x62: {  	vm4 =	vlt.f32 v34, v25;
	vm11 =	vlt.f32 v12, v29;
	v2 =	vsel vm7, v11, v38  }
0x63: {  	v6 =	vsel vm7, v6, v39;
	v11 =	vsel vm8, v20, v37;
	v7 =	vsel vm1, v33, v36  }
0x64: {  	v0 =	vsel vm10, v0, v32;
	v4 =	vsel vm10, v4, v30;
	v36 =	vsel vm4, v34, v25  }
0x65: {  	v16 =	vsel vm4, v23, v27;
	v12 =	vsel vm11, v12, v29;
	v37 =	vsel vm12, v54, v22  }
0x66: {  	v13 =	vsel vm11, v62, v28;
	v3 =	vsel vm1, v3, v26;
	v8 =	vsel vm8, v8, v31  }
0x67: {  	vm13 =	vlt.f32 v12, v5;
	vm5 =	vlt.f32 v7, v0;
	vm14 =	vlt.f32 v11, v36  }
0x68: {  	vm15 =	vlt.f32 v37, v2;
	v38 =	vsel vm13, v5, v12;
	v39 =	vsel vm5, v0, v7  }
0x69: {  	v5 =	vsel vm13, v12, v5;
	v0 =	vsel vm5, v7, v0;
	v40 =	vsel vm14, v11, v36  }
0x6a: {  	v41 =	vsel vm15, v37, v2;
	v19 =	vsel vm13, v13, v10;
	v10 =	vsel vm13, v10, v13  }
0x6b: {  	v44 =	vsel vm5, v3, v4;
	vm8 =	vlt.f32 v40, v5;
	vm9 =	vlt.f32 v41, v0  }
0x6c: {  	v3 =	vsel vm5, v4, v3;
	v42 =	vsel vm8, v40, v5;
	v43 =	vsel vm9, v41, v0  }
0x6d: {  	v45 =	vsel vm14, v8, v16;
	v46 =	vsel vm15, v1, v6;
	vm10 =	vlt.f32 v43, v42  }
0x6e: {  	v48 =	vsel vm8, v45, v19;
	v49 =	vsel vm9, v46, v44;
	v47 =	vsel vm10, v43, v42  }
0x6f: {  	v11 =	vsel vm14, v36, v11;
	v2 =	vsel vm15, v2, v37;
	v50 =	vsel vm10, v49, v48;
	[tilespmem:s26+$0x12A00] =	vst v47  }
0x70: {  	v5 =	vsel vm8, v5, v40;
	v0 =	vsel vm9, v0, v41;
	v51 =	vsel vm10, v42, v43;
	[tilespmem:s26+$0x16A00] =	vst v50  }
0x71: {  	v55 =	vsel vm14, v16, v8;
	vm11 =	vlt.f32 v0, v5;
	v52 =	vsel vm10, v48, v49;
	[tilespmem:s16+$0x12A00] =	vst v51  }
0x72: {  	v4 =	vsel vm8, v19, v45;
	v53 =	vsel vm9, v44, v46;
	v54 =	vsel vm11, v0, v5;
	[tilespmem:s16+$0x16A00] =	vst v52  }
0x73: {  	vm12 =	vlt.f32 v11, v38;
	vm13 =	vlt.f32 v2, v39;
	v8 =	vsel vm11, v53, v4;
	[tilespmem:s14+$0x12A00] =	vst v54  }
0x74: {  	v56 =	vsel vm12, v11, v38;
	v57 =	vsel vm13, v2, v39;
	v0 =	vsel vm11, v5, v0;
	[tilespmem:s14+$0x16A00] =	vst v8  }
0x75: {  	v1 =	vsel vm15, v6, v1;
	vm14 =	vlt.f32 v57, v56;
	v4 =	vsel vm11, v4, v53;
	[tilespmem:s3+$0x12A00] =	vst v0  }
0x76: {  	v58 =	vsel vm12, v55, v10;
	v6 =	vsel vm13, v1, v3;
	v0 =	vsel vm14, v57, v56;
	[tilespmem:s3+$0x16A00] =	vst v4  }
0x77: {  	v59 =	vsel vm14, v6, v58;
	[tilespmem:s1+$0x12A00] =	vst v0  }
0x78: {  	v2 =	vsel vm13, v39, v2;
	v8 =	vsel vm14, v56, v57;
	v0 =	vsel vm12, v38, v11;
	[tilespmem:s1+$0x16A00] =	vst v59  }
0x79: {  	v60 =	vsel vm14, v58, v6;
	vm15 =	vlt.f32 v2, v0;
	[tilespmem:s30+$0x12A00] =	vst v8  }
0x7a: {  	v61 =	vsel vm12, v10, v55;
	v1 =	vsel vm13, v3, v1;
	[tilespmem:s30+$0x16A00] =	vst v60;
	v3 =	vsel vm15, v2, v0  }
0x7b: {  	v62 =	vsel vm15, v1, v61;
	v0 =	vsel vm15, v0, v2;
	[tilespmem:s31+$0x12A00] =	vst v3  }
0x7c: {  	[tilespmem:s31+$0x16A00] =	vst v62  }
0x7d: {  	v1 =	vsel vm15, v61, v1;
	[tilespmem:s29+$0x12A00] =	vst v0  }
0x7e: {  	[tilespmem:s29+$0x16A00] =	vst v1;
	v0 =	vmov v15  }
.LBB2_7:
0x7f: {  	s25 =	sadd.s32 $0x1, s25  }
0x80: {  	p0 =	sne.s32 s25, $0x80  }
.Ltmp3:
0x81: {  	_ = 	snop;
	(pc) =	sbr.rel @!p0 .LBB2_8-.Ltmp3, $1  }
0x82: {  	_ =	sdelay $0x3  }
.LBB2_3:
0x83: {  	s1 =	sshll.u32 s25, $0x4  }
0x84: {  	v1 =	vld [tilespmem:s1+$0x11A00];
	_ =	sdelay $0x4  }
0x85: {  	v12 =	vadd.s32 $0x4, v1;
	v13 =	vadd.s32 $0xFFFFFFFC, v1  }
0x86: {  	vm0 =	vgt.s32 v12, $0x0;
	vm1 =	vgt.s32 v13, $0x0  }
0x87: {  	v12 =	vnsel vm0, $0x0, v12;
	v13 =	vnsel vm1, $0x0, v13  }
0x88: {  	v12 =	vmin.u32 v12, $0xFF;
	v23 =	vmin.u32 v13, $0xFF  }
0x89: {  	vm14 =	vge.u32 v12, v63;
	vm15 =	vlt.u32 v23, v9  }
0x8a: {  	vm0 =	vmand vm14, vm15  }
0x8b: {  	v62 =	vmpcnt.ones.xlane vm0;
	_ =	sdelay $0x1  }
0x8c: {  	(v2sf) =	vpush v62, $0x0;
	_ =	sdelay $0xe  }
0x8d: {  	s3 =	spop (v2sf)  }
0x8e: {  	p0 =	seq.s32 s3, $0x0  }
.Ltmp4:
0x8f: {  	_ = 	snop;
	(pc) =	sbr.rel @p0 .LBB2_7-.Ltmp4, $2  }
0x90: {  	_ =	sdelay $0x2  }
0x91: {  	[tilespmem:$0x1FF90] =	vst v1  }
0x92: {  	v1 =	vld [tilespmem:$0x1FF90];
	_ =	sdelay $0x1  }
0x93: {  	v25 =	vld [tilespmem:s1+$0x12200];
	_ =	sdelay $0x1  }
0x94: {  	s28 =	simm.s32 $0xFFFFFFFC  }
0x95: {  	v12 =	vld [tilespmem:s1+$0x10200];
	v14 =	vadd.s32 s28, v1  }
0x96: {  	v13 =	vld [tilespmem:s1+$0x10A00];
	s26 =	sshll.u32 s25, $0x7;
	vm0 =	vgt.s32 v14, $0x0  }
0x97: {  	v19 =	vld [tilespmem:s26+$0x12A00];
	v15 =	vadd.s32 $0x2, v25;
	v16 =	vnsel vm0, $0x0, v14  }
0x98: {  	v22 =	vld [tilespmem:s26+$0x12A10];
	vm0 =	vgt.s32 v15, $0x0;
	v16 =	vmin.u32 v16, $0xFF  }
0x99: {  	v24 =	vld [tilespmem:s26+$0x12A20];
	vm1 =	vge.u32 v16, v63;
	vm2 =	vlt.u32 v16, v9;
	v16 =	vsub.s32 v16, v0  }
0x9a: {  	v26 =	vld [tilespmem:s26+$0x12A30];
	v15 =	vnsel vm0, $0x0, v15;
	vm0 =	vmand vm1, vm2;
	v16 =	vshll.u32 v16, $0x8  }
0x9b: {  	v28 =	vld [tilespmem:s26+$0x12A40];
	v17 =	vadd.s32 $0xFFFFFFFC, v25;
	v4 =	vmin.u32 v15, $0xFF;
	v27 =	vnsel vm0, $0x0, v16  }
0x9c: {  	v30 =	vld [tilespmem:s26+$0x12A50];
	vm1 =	vgt.s32 v17, $0x0;
	v20 =	vor.u32 v4, v27  }
0x9d: {  	v31 =	vld [tilespmem:s26+$0x12A60];
	v5 =	vnsel vm1, $0x0, v17;
	v17 =	vadd.s32 $0xFFFFFFFD, v25  }
0x9e: {  	v39 =	vld [tilespmem:s26+$0x12A70];
	v1 =	vmin.u32 v5, $0xFF;
	vm1 =	vgt.s32 v17, $0x0  }
0x9f: {  	v55 =	vld [tilespmem:s26+$0x16A00];
	v18 =	vadd.s32 $0xFFFFFFFE, v25;
	v17 =	vnsel vm1, $0x0, v17;
	v29 =	vor.u32 v1, v27  }
0xa0: {  	v14 =	vld [tilespmem:s1+$0x11200];
	vm1 =	vgt.s32 v18, $0x0;
	v17 =	vmin.u32 v17, $0xFF  }
0xa1: {  	v21 =	vadd.s32 $0xFFFFFFFF, v25;
	v18 =	vnsel vm1, $0x0, v18;
	v32 =	vor.u32 v17, v27;
	v34 =	vld.idx.msk [tilespmem:v20+s21+$0x0], $0xffff  }
0xa2: {  	vm1 =	vgt.s32 v21, $0x0;
	v18 =	vmin.u32 v18, $0xFF;
	v35 =	vld.idx.msk [tilespmem:v20+s4+$0x0], $0xffff  }
0xa3: {  	vm2 =	vlt.u32 v23, v63;
	v21 =	vnsel vm1, $0x0, v21;
	v36 =	vor.u32 v18, v27;
	v37 =	vld.idx.msk [tilespmem:v20+s20+$0x0], $0xffff  }
0xa4: {  	v6 =	vmpcnt.ones.xlane vm2;
	v20 =	vmin.u32 v21, $0xFF;
	v38 =	vld.idx.msk [tilespmem:v29+s4+$0x0], $0xffff  }
0xa5: {  	vm1 =	vgt.s32 v25, $0x0;
	v40 =	vor.u32 v20, v27;
	v41 =	vld.idx.msk [tilespmem:v29+s20+$0x0], $0xffff  }
0xa6: {  	v33 =	vadd.s32 $0x1, v25;
	(v2sf) =	vpush v6, $0x0;
	v21 =	vnsel vm1, $0x0, v25;
	v42 =	vld.idx.msk [tilespmem:v32+s4+$0x0], $0xffff  }
0xa7: {  	vm1 =	vgt.s32 v33, $0x0;
	v21 =	vmin.u32 v21, $0xFF;
	v44 =	vld.idx.msk [tilespmem:v32+s20+$0x0], $0xffff  }
0xa8: {  	v45 =	vadd.s32 $0x3, v25;
	v23 =	vnsel vm1, $0x0, v33;
	v43 =	vor.u32 v21, v27;
	v46 =	vld.idx.msk [tilespmem:v36+s4+$0x0], $0xffff  }
0xa9: {  	v25 =	vadd.s32 $0x4, v25;
	vm1 =	vgt.s32 v45, $0x0;
	v23 =	vmin.u32 v23, $0xFF;
	v48 =	vld.idx.msk [tilespmem:v36+s20+$0x0], $0xffff  }
0xaa: {  	v45 =	vnsel vm1, $0x0, v45;
	vm1 =	vgt.s32 v25, $0x0;
	v47 =	vor.u32 v23, v27;
	v49 =	vld.idx.msk [tilespmem:v40+s4+$0x0], $0xffff  }
0xab: {  	v33 =	vmin.u32 v45, $0xFF;
	v25 =	vnsel vm1, $0x0, v25;
	v51 =	vsub.f32 v14, v34;
	v7 =	vld.idx.msk [tilespmem:v40+s20+$0x0], $0xffff  }
0xac: {  	v16 =	vmovc v1;
	v35 =	vsub.f32 v12, v35;
	v34 =	vmin.u32 v25, $0xFF;
	v25 =	vsub.f32 v13, v37;
	v40 =	vld.idx.msk [tilespmem:v40+s21+$0x0], $0xffff  }
0xad: {  	v50 =	vor.u32 v33, v27;
	v60 =	vsub.f32 v12, v38;
	v53 =	vor.u32 v34, v27;
	v52 =	vld.idx.msk [tilespmem:v43+s4+$0x0], $0xffff  }
0xae: {  	v27 =	vsub.f32 v13, v41;
	v61 =	vld.idx.msk [tilespmem:v43+s20+$0x0], $0xffff;
	v35 =	vmul.f32 v35, v35;
	v25 =	vmul.f32 v25, v25  }
0xaf: {  	v51 =	vmul.f32 v51, v51;
	v43 =	vld.idx.msk [tilespmem:v43+s21+$0x0], $0xffff;
	v62 =	vsub.f32 v12, v42;
	v44 =	vsub.f32 v13, v44  }
0xb0: {  	v1 =	vld.idx.msk [tilespmem:v47+s4+$0x0], $0xffff;
	v37 =	vmul.f32 v60, v60;
	v46 =	vsub.f32 v12, v46;
	v25 =	vadd.f32 v25, v35  }
0xb1: {  	v54 =	vld.idx.msk [tilespmem:v47+s20+$0x0], $0xffff;
	v27 =	vmul.f32 v27, v27;
	v48 =	vsub.f32 v13, v48;
	v49 =	vsub.f32 v12, v49  }
0xb2: {  	v60 =	vld [tilespmem:s26+$0x16A10];
	v41 =	vmul.f32 v62, v62;
	v45 =	vsub.f32 v13, v7;
	v51 =	vadd.f32 v51, v25  }
0xb3: {  	v56 =	vld.idx.msk [tilespmem:v50+s4+$0x0], $0xffff;
	v44 =	vmul.f32 v44, v44;
	v40 =	vsub.f32 v14, v40;
	v52 =	vsub.f32 v12, v52  }
0xb4: {  	v57 =	vld.idx.msk [tilespmem:v50+s20+$0x0], $0xffff;
	v46 =	vmul.f32 v46, v46;
	v38 =	vsub.f32 v13, v61;
	v61 =	vadd.f32 v27, v37  }
0xb5: {  	v62 =	vld [tilespmem:s26+$0x16A70];
	v48 =	vmul.f32 v48, v48;
	s18 =	spop (v2sf);
	v41 =	vadd.f32 v44, v41;
	v43 =	vsub.f32 v14, v43  }
0xb6: {  	v58 =	vld.idx.msk [tilespmem:v53+s4+$0x0], $0xffff;
	p0 =	seq.s32 s18, $0x0;
	v42 =	vsub.f32 v12, v1;
	v54 =	vsub.f32 v13, v54;
	v49 =	vmul.f32 v49, v49  }
0xb7: {  	v59 =	vld.idx.msk [tilespmem:v53+s20+$0x0], $0xffff;
	v45 =	vmul.f32 v45, v45;
	v46 =	vadd.f32 v48, v46;
	v35 =	vpsel p0, $0x7F800000, v19  }
0xb8: {  	s17 =	simm.s32 $0x8;
	v25 =	vpsel p0, $0x7F800000, v24;
	v24 =	vld.idx.msk [tilespmem:v36+s21+$0x0], $0xffff;
	v36 =	vpsel p0, $0x7F800000, v30;
	v19 =	vpsel p0, $0x0, v55  }
0xb9: {  	v7 =	vld [tilespmem:s26+$0x16A60];
	v30 =	vpsel p0, $0x0, v60;
	v55 =	vmov s17;
	v40 =	vmul.f32 v40, v40  }
0xba: {  	v27 =	vld [tilespmem:s26+$0x16A20];
	v2 =	vsub.f32 v12, v56;
	v3 =	vmul.f32 v52, v52;
	v38 =	vmul.f32 v38, v38  }
0xbb: {  	[tilespmem:$0x1FF80] =	vst v4;
	v44 =	vld [tilespmem:s26+$0x16A40];
	v4 =	vsub.f32 v13, v57;
	v43 =	vmul.f32 v43, v43;
	v42 =	vmul.f32 v42, v42  }
0xbc: {  	v48 =	vld [tilespmem:s26+$0x16A50];
	v54 =	vmul.f32 v54, v54;
	v45 =	vadd.f32 v45, v49;
	v5 =	vsub.f32 v12, v58  }
0xbd: {  	v56 =	vld [tilespmem:s26+$0x16A30];
	v6 =	vsub.f32 v13, v59;
	v37 =	vmul.f32 v2, v2;
	v52 =	vmul.f32 v4, v4  }
0xbe: {  	v59 =	vadd.f32 v38, v3;
	v4 =	vld.idx.msk [tilespmem:v32+s21+$0x0], $0xffff;
	v32 =	vpsel p0, $0x7F800000, v22;
	v38 =	vpsel p0, $0x7F800000, v26  }
0xbf: {  	v3 =	vld.idx.msk [tilespmem:v29+s21+$0x0], $0xffff;
	v29 =	vpsel p0, $0x7F800000, v28;
	v22 =	vpsel p0, $0x7F800000, v39;
	v42 =	vadd.f32 v54, v42  }
0xc0: {  	v27 =	vpsel p0, $0x0, v27;
	v28 =	vpsel p0, $0x0, v44;
	v40 =	vadd.f32 v40, v45  }
0xc1: {  	v1 =	vmul.f32 v5, v5;
	v2 =	vmul.f32 v6, v6;
	v52 =	vadd.f32 v52, v37  }
0xc2: {  	v37 =	vpsel p0, $0x7F800000, v31;
	v26 =	vpsel p0, $0x0, v48;
	v5 =	vld.idx.msk [tilespmem:v47+s21+$0x0], $0xffff;
	v58 =	vsub.f32 v14, v24  }
0xc3: {  	v31 =	vpsel p0, $0x0, v7;
	v7 =	vld.idx.msk [tilespmem:v50+s21+$0x0], $0xffff;
	v24 =	vpsel p0, $0x0, v62;
	v43 =	vadd.f32 v43, v59  }
0xc4: {  	v39 =	vpsel p0, $0x0, v56;
	v57 =	vadd.f32 v2, v1;
	v49 =	vmul.f32 v58, v58  }
0xc5: {  	s3 =	simm.s32 $0x3;
	s10 =	simm.s32 $0x4;
	v53 =	vld.idx.msk [tilespmem:v53+s21+$0x0], $0xffff;
	v40 =	vnsel vm0, $0x7F800000, v40;
	v54 =	vsub.f32 v14, v3;
	v6 =	vsub.f32 v14, v4  }
0xc6: {  	v1 =	vmov s3;
	v4 =	vmov s10;
	v46 =	vadd.f32 v49, v46  }
0xc7: {  	s19 =	simm.s32 $0x0;
	v49 =	vnsel vm0, $0x7F800000, v43;
	v60 =	vmul.f32 v54, v54;
	v47 =	vmul.f32 v6, v6  }
0xc8: {  	s11 =	simm.s32 $0x5;
	v44 =	vsub.f32 v14, v5;
	v54 =	vmov s19;
	v48 =	vsub.f32 v14, v7  }
0xc9: {  	v6 =	vmov s11;
	v50 =	vadd.f32 v60, v61;
	v41 =	vadd.f32 v47, v41  }
0xca: {  	s6 =	simm.s32 $0x1;
	s7 =	simm.s32 $0x2;
	v61 =	vsub.f32 v14, v53;
	v44 =	vmul.f32 v44, v44;
	v62 =	vmul.f32 v48, v48  }
0xcb: {  	v47 =	vmov s6;
	v53 =	vmov s7;
	v48 =	vnsel vm0, $0x7F800000, v46  }
0xcc: {  	s13 =	simm.s32 $0x7;
	v2 =	vmul.f32 v61, v61;
	v3 =	vadd.f32 v44, v42;
	v5 =	vadd.f32 v62, v52  }
0xcd: {  	v60 =	vnsel vm0, $0x7F800000, v50;
	v61 =	vnsel vm0, $0x7F800000, v41;
	v62 =	vmov s13  }
0xce: {  	vm2 =	vlt.f32 v40, v60;
	v7 =	vadd.f32 v2, v57;
	v42 =	vnsel vm0, $0x7F800000, v5  }
0xcf: {  	v44 =	vsel vm2, v40, v60;
	v40 =	vsel vm2, v60, v40;
	vm3 =	vlt.f32 v42, v61  }
0xd0: {  	v50 =	vsel vm2, s3, v54;
	v46 =	vsel vm2, s19, v1;
	v41 =	vsel vm3, v42, v61  }
0xd1: {  	v45 =	vsel vm3, v61, v42;
	v42 =	vnsel vm0, $0x7F800000, v51;
	v51 =	vnsel vm0, $0x7F800000, v3  }
0xd2: {  	s16 =	sor.u32 $0x10, s26;
	s14 =	sor.u32 $0x20, s26;
	v52 =	vnsel vm0, $0x7F800000, v7;
	v43 =	vsel vm3, s13, v47;
	vm1 =	vlt.f32 v51, v48  }
0xd3: {  	s30 =	sor.u32 $0x50, s26;
	s31 =	sor.u32 $0x60, s26;
	s29 =	sor.u32 $0x70, s26;
	v54 =	vsel vm3, s6, v62;
	vm0 =	vlt.f32 v52, v49;
	v53 =	vsel vm1, s11, v53  }
0xd4: {  	s1 =	sor.u32 $0x40, s26;
	v15 =	vmovc v0;
	s18 =	simm.s32 $0x11;
	s3 =	sor.u32 $0x30, s26;
	v47 =	vsel vm1, s7, v6;
	v56 =	vsel vm0, s17, v4;
	v55 =	vsel vm0, s10, v55  }
.LBB2_5:
0xd5: {  	v57 =	vsel vm1, v51, v48  }
0xd6: {  	v2 =	vsel vm0, v52, v49;
	v3 =	vsel vm0, v49, v52;
	vm0 =	vlt.f32 v45, v44  }
0xd7: {  	v48 =	vsel vm1, v48, v51;
	vm1 =	vlt.f32 v2, v57;
	v4 =	vsel vm0, v54, v50  }
0xd8: {  	vm2 =	vlt.f32 v3, v40;
	vm3 =	vlt.f32 v42, v48;
	v50 =	vsel vm0, v50, v54  }
0xd9: {  	s6 =	sadd.s32 $0xFFFFFFFE, s17;
	v7 =	vsel vm0, v45, v44;
	v61 =	vsel vm0, v44, v45;
	v5 =	vsel vm1, v56, v53  }
0xda: {  	v58 =	vnsel vm3, s6, v47;
	v53 =	vsel vm1, v53, v56;
	v6 =	vsel vm2, v55, v46  }
0xdb: {  	v0 =	vsel vm2, v46, v55;
	v59 =	vsel vm1, v2, v57;
	v60 =	vsel vm3, s6, v47  }
0xdc: {  	v62 =	vsel vm1, v57, v2;
	v51 =	vsel vm3, v48, v42;
	v1 =	vsel vm2, v3, v40  }
0xdd: {  	v2 =	vsel vm2, v40, v3;
	v3 =	vsel vm3, v42, v48;
	vm0 =	vlt.f32 v59, v7  }
0xde: {  	vm1 =	vlt.f32 v1, v41;
	vm2 =	vlt.f32 v3, v62;
	vm3 =	vlt.f32 v2, v61  }
0xdf: {  	v48 =	vsel vm0, v5, v4;
	v49 =	vsel vm0, v4, v5;
	v4 =	vsel vm1, v6, v43  }
0xe0: {  	v5 =	vsel vm1, v43, v6;
	v54 =	vsel vm3, v50, v0;
	v6 =	vsel vm2, v60, v53  }
0xe1: {  	v47 =	vsel vm2, v53, v60;
	v46 =	vsel vm3, v0, v50;
	v50 =	vsel vm0, v59, v7  }
0xe2: {  	v53 =	vsel vm0, v7, v59;
	v55 =	vsel vm3, v61, v2;
	v7 =	vsel vm1, v1, v41  }
0xe3: {  	v0 =	vsel vm1, v41, v1;
	v1 =	vsel vm2, v3, v62;
	v42 =	vsel vm2, v62, v3  }
0xe4: {  	v40 =	vsel vm3, v2, v61;
	vm0 =	vlt.f32 v1, v7;
	vm1 =	vlt.f32 v51, v0  }
0xe5: {  	vm2 =	vlt.f32 v40, v42;
	v2 =	vsel vm0, v6, v4;
	v3 =	vsel vm0, v4, v6  }
0xe6: {  	v4 =	vsel vm1, v58, v5;
	v56 =	vsel vm2, v47, v46;
	v60 =	vsel vm0, v1, v7  }
0xe7: {  	v43 =	vsel vm1, v5, v58;
	v46 =	vsel vm2, v46, v47;
	v5 =	vsel vm0, v7, v1  }
0xe8: {  	v6 =	vsel vm1, v51, v0;
	v7 =	vsel vm2, v42, v40;
	v41 =	vsel vm1, v0, v51  }
0xe9: {  	v42 =	vsel vm2, v40, v42;
	vm0 =	vlt.f32 v60, v50;
	vm1 =	vlt.f32 v5, v53  }
0xea: {  	vm2 =	vlt.f32 v42, v6;
	vm3 =	vlt.f32 v55, v41;
	v40 =	vsel vm0, v2, v48  }
0xeb: {  	v44 =	vsel vm0, v48, v2;
	v59 =	vsel vm1, v3, v49;
	v45 =	vsel vm1, v49, v3  }
0xec: {  	v61 =	vsel vm2, v46, v4;
	v46 =	vsel vm2, v4, v46;
	v62 =	vsel vm0, v60, v50  }
0xed: {  	v50 =	vsel vm0, v50, v60;
	v43 =	vsel vm3, v54, v43;
	v0 =	vsel vm1, v5, v53  }
0xee: {  	v47 =	vsel vm1, v53, v5;
	v41 =	vsel vm3, v55, v41;
	v1 =	vsel vm2, v42, v6  }
0xef: {  	v42 =	vsel vm2, v6, v42;
	v60 =	vimm.s32 $0x0;
	vm0 =	vlt.f32 v7, v41  }
0xf0: {  	vm1 =	vlt.f32 v1, v0;
	vm2 =	vlt.f32 v42, v47;
	vm4 =	vlt.f32 v62, v22  }
0xf1: {  	v54 =	vsel vm0, v43, v56;
	v2 =	vsel vm1, v61, v59;
	v48 =	vsel vm1, v59, v61  }
0xf2: {  	v3 =	vsel vm2, v46, v45;
	v45 =	vsel vm2, v45, v46;
	v4 =	vsel vm0, v41, v7  }
0xf3: {  	v43 =	vsel vm0, v56, v43;
	v5 =	vsel vm1, v1, v0;
	v52 =	vsel vm1, v0, v1  }
0xf4: {  	v6 =	vsel vm2, v42, v47;
	v42 =	vsel vm2, v47, v42;
	v41 =	vsel vm0, v7, v41  }
0xf5: {  	v0 =	vimm.s32 $0x0;
	v61 =	vimm.s32 $0x0;
	v22 =	vsel vm4, v62, v22  }
0xf6: {  	v24 =	vsel vm4, v40, v24;
	vm0 =	vlt.f32 v5, v50;
	vm1 =	vlt.f32 v6, v52  }
0xf7: {  	vm2 =	vlt.f32 v41, v42;
	v47 =	vsel vm0, v2, v44;
	v44 =	vsel vm0, v44, v2  }
0xf8: {  	v55 =	vsel vm1, v3, v48;
	v48 =	vsel vm1, v48, v3;
	v7 =	vsel vm0, v5, v50  }
0xf9: {  	v57 =	vsel vm2, v43, v45;
	v43 =	vsel vm2, v45, v43;
	v56 =	vsel vm0, v50, v5  }
0xfa: {  	v58 =	vsel vm1, v6, v52;
	v52 =	vsel vm1, v52, v6;
	v59 =	vsel vm2, v41, v42  }
0xfb: {  	v41 =	vsel vm2, v42, v41;
	vm0 =	vlt.f32 v52, v38;
	vm1 =	vlt.f32 v7, v37  }
0xfc: {  	vm2 =	vlt.f32 v56, v36;
	vm12 =	vlt.f32 v41, v32;
	vm11 =	vlt.f32 v58, v29  }
0xfd: {  	vm13 =	vlt.f32 v59, v25;
	v38 =	vsel vm0, v52, v38;
	v39 =	vsel vm0, v48, v39  }
0xfe: {  	v0 =	vsel vm1, $0xFFFFFFFF, v0;
	vm0 =	vlt.f32 v4, v35;
	v37 =	vsel vm1, v7, v37  }
0xff: {  	v36 =	vsel vm2, v56, v36;
	v32 =	vsel vm12, v41, v32;
	v29 =	vsel vm11, v58, v29  }
0x100: {  	v25 =	vsel vm13, v59, v25;
	v30 =	vsel vm12, v43, v30;
	v27 =	vsel vm13, v57, v27  }
0x101: {  	[tilespmem:$0x1FF60] =	vst v0;
	v0 =	vsel vm0, $0xFFFFFFFF, v60;
	v35 =	vsel vm0, v4, v35;
	vm9 =	vlt.f32 v36, v32  }
0x102: {  	vm10 =	vlt.f32 v37, v25;
	vm7 =	vlt.f32 v22, v38;
	[tilespmem:$0x1FF70] =	vst v0;
	v0 =	vsel vm2, $0xFFFFFFFF, v61  }
0x103: {  	vm8 =	vlt.f32 v29, v35;
	v1 =	vsel vm10, v25, v37;
	v2 =	vsel vm7, v38, v22  }
0x104: {  	v59 =	vld [tilespmem:$0x1FF90];
	v25 =	vsel vm10, v37, v25;
	v5 =	vsel vm7, v22, v38;
	[tilespmem:$0x1FF50] =	vst v0;
	v0 =	vsel vm9, v32, v36  }
0x105: {  	v51 =	vld [tilespmem:$0x1FF60];
	v62 =	vsel vm8, v35, v29;
	v29 =	vsel vm8, v29, v35;
	vm5 =	vlt.f32 v2, v0  }
0x106: {  	v32 =	vsel vm9, v36, v32;
	v4 =	vsel vm5, v0, v2;
	v42 =	vsel vm5, v2, v0;
	v0 =	vld [tilespmem:$0x1FF50]  }
0x107: {  	v28 =	vsel vm11, v55, v28;
	v52 =	vld [tilespmem:$0x1FF70];
	vm1 =	vlt.f32 v25, v29;
	vm14 =	vlt.f32 v5, v32  }
0x108: {  	vm6 =	vlt.f32 v1, v62;
	v6 =	vsel vm1, v25, v29;
	v38 =	vsel vm14, v5, v32  }
0x109: {  	s28 =	sadd.s32 $0x1, s28;
	v37 =	vsel vm1, v29, v25;
	v7 =	vsel vm14, v32, v5;
	vm0 =	vlt.f32 v38, v6  }
0x10a: {  	v60 =	vadd.s32 s28, v59;
	vm2 =	vlt.f32 v7, v37;
	v32 =	vsel vm0, v6, v38  }
0x10b: {  	v35 =	vsel vm0, v38, v6;
	vm12 =	vnez.u8 v51;
	vm13 =	vnez.u8 v0  }
0x10c: {  	v31 =	vsel vm12, v47, v31;
	v26 =	vsel vm13, v44, v26;
	vm13 =	vnez.u8 v52  }
0x10d: {  	v19 =	vsel vm13, v54, v19;
	v53 =	vsel vm9, v26, v30;
	v26 =	vsel vm9, v30, v26  }
0x10e: {  	v30 =	vsel vm7, v24, v39;
	v24 =	vsel vm7, v39, v24;
	v54 =	vsel vm8, v28, v19  }
0x10f: {  	v19 =	vsel vm8, v19, v28;
	v28 =	vsel vm10, v31, v27;
	v27 =	vsel vm10, v27, v31  }
0x110: {  	v55 =	vsel vm14, v30, v53;
	v40 =	vsel vm14, v53, v30;
	v31 =	vsel vm1, v28, v54  }
0x111: {  	v28 =	vsel vm1, v54, v28;
	v56 =	vsel vm6, v27, v19;
	v57 =	vsel vm6, v19, v27  }
0x112: {  	v19 =	vsel vm0, v55, v31;
	v30 =	vsel vm0, v31, v55;
	vm0 =	vgt.s32 v60, $0x0  }
0x113: {  	v61 =	vld [tilespmem:$0x1FF80];
	v27 =	vsel vm2, v40, v28;
	v39 =	vsel vm2, v28, v40;
	v40 =	vnsel vm0, $0x0, v60  }
0x114: {  	v40 =	vmin.u32 v40, $0xFF  }
0x115: {  	vm0 =	vge.u32 v40, v63;
	vm1 =	vlt.u32 v40, v9;
	v40 =	vsub.s32 v40, v15  }
0x116: {  	vm0 =	vmand vm0, vm1;
	v40 =	vshll.u32 v40, $0x8  }
0x117: {  	v41 =	vsel vm6, v1, v62;
	v40 =	vnsel vm0, $0x0, v40  }
0x118: {  	v3 =	vsel vm6, v62, v1;
	vm15 =	vlt.f32 v42, v41;
	v62 =	vor.u32 v61, v40  }
0x119: {  	v29 =	vsel vm15, v42, v41;
	v36 =	vsel vm15, v41, v42;
	v42 =	vor.u32 v16, v40  }
0x11a: {  	v43 =	vor.u32 v17, v40  }
0x11b: {  	v44 =	vor.u32 v18, v40  }
0x11c: {  	v45 =	vor.u32 v20, v40  }
0x11d: {  	v46 =	vor.u32 v21, v40;
	v47 =	vld.idx.msk [tilespmem:v62+s21+$0x0], $0xffff  }
0x11e: {  	v49 =	vor.u32 v23, v40;
	v0 =	vld.idx.msk [tilespmem:v42+s21+$0x0], $0xffff  }
0x11f: {  	vm3 =	vlt.f32 v4, v3;
	v1 =	vld.idx.msk [tilespmem:v43+s21+$0x0], $0xffff  }
0x120: {  	v22 =	vsel vm3, v3, v4;
	v25 =	vsel vm2, v7, v37;
	v2 =	vld.idx.msk [tilespmem:v44+s21+$0x0], $0xffff  }
0x121: {  	v38 =	vsel vm2, v37, v7;
	v37 =	vsel vm3, v4, v3;
	v53 =	vor.u32 v33, v40;
	v3 =	vld.idx.msk [tilespmem:v45+s21+$0x0], $0xffff  }
0x122: {  	v55 =	vor.u32 v34, v40;
	v4 =	vld.idx.msk [tilespmem:v46+s21+$0x0], $0xffff  }
0x123: {  	v5 =	vld.idx.msk [tilespmem:v49+s21+$0x0], $0xffff  }
0x124: {  	v6 =	vld.idx.msk [tilespmem:v62+s4+$0x0], $0xffff  }
0x125: {  	v7 =	vld.idx.msk [tilespmem:v62+s20+$0x0], $0xffff  }
0x126: {  	v59 =	vld.idx.msk [tilespmem:v53+s21+$0x0], $0xffff  }
0x127: {  	s19 =	sadd.s32 $0xFFFFFFF9, s18;
	v60 =	vld.idx.msk [tilespmem:v55+s21+$0x0], $0xffff  }
0x128: {  	v41 =	vmov s19;
	v58 =	vsel vm5, v24, v26;
	v24 =	vsel vm5, v26, v24;
	v61 =	vld.idx.msk [tilespmem:v42+s4+$0x0], $0xffff  }
0x129: {  	v28 =	vsel vm15, v58, v56;
	v26 =	vsel vm15, v56, v58;
	v42 =	vld.idx.msk [tilespmem:v42+s20+$0x0], $0xffff;
	v47 =	vsub.f32 v14, v47  }
0x12a: {  	v31 =	vsel vm3, v24, v57;
	v62 =	vld.idx.msk [tilespmem:v43+s4+$0x0], $0xffff;
	v48 =	vsub.f32 v14, v0;
	v50 =	vsub.f32 v14, v1  }
0x12b: {  	v24 =	vsel vm3, v57, v24;
	v43 =	vld.idx.msk [tilespmem:v43+s20+$0x0], $0xffff;
	v51 =	vsub.f32 v14, v2;
	v52 =	vsub.f32 v14, v3  }
0x12c: {  	v11 =	vmovc v9;
	s6 =	sadd.s32 $0xFFFFFFF8, s18;
	v9 =	vmovc v63;
	v40 =	vmov s18;
	v63 =	vld.idx.msk [tilespmem:v44+s4+$0x0], $0xffff;
	v54 =	vsub.f32 v14, v4;
	v56 =	vsub.f32 v14, v5  }
0x12d: {  	s7 =	sadd.s32 $0xFFFFFFFA, s18;
	v44 =	vld.idx.msk [tilespmem:v44+s20+$0x0], $0xffff;
	v2 =	vmov s6;
	v57 =	vsub.f32 v12, v6;
	v58 =	vsub.f32 v13, v7  }
0x12e: {  	s11 =	sadd.s32 $0xFFFFFFFB, s18;
	v5 =	vmov s7;
	v59 =	vsub.f32 v14, v59;
	v60 =	vsub.f32 v14, v60  }
0x12f: {  	s10 =	sadd.s32 $0xFFFFFFFC, s18;
	v10 =	vld.idx.msk [tilespmem:v53+s4+$0x0], $0xffff;
	v61 =	vsub.f32 v12, v61;
	v42 =	vsub.f32 v13, v42;
	v3 =	vmov s11  }
0x130: {  	v53 =	vld.idx.msk [tilespmem:v53+s20+$0x0], $0xffff;
	v62 =	vsub.f32 v12, v62;
	v43 =	vsub.f32 v13, v43;
	v1 =	vmov s10  }
0x131: {  	v8 =	vld.idx.msk [tilespmem:v55+s4+$0x0], $0xffff;
	v63 =	vsub.f32 v12, v63;
	v48 =	vmul.f32 v48, v48;
	v47 =	vmul.f32 v47, v47  }
0x132: {  	s13 =	sadd.s32 $0xFFFFFFFD, s18;
	v55 =	vld.idx.msk [tilespmem:v55+s20+$0x0], $0xffff;
	v44 =	vsub.f32 v13, v44;
	v50 =	vmul.f32 v50, v50;
	v51 =	vmul.f32 v51, v51  }
0x133: {  	v0 =	vld.idx.msk [tilespmem:v45+s4+$0x0], $0xffff;
	v6 =	vmov s13;
	v52 =	vmul.f32 v52, v52;
	v57 =	vmul.f32 v57, v57  }
0x134: {  	v45 =	vld.idx.msk [tilespmem:v45+s20+$0x0], $0xffff;
	v10 =	vsub.f32 v12, v10;
	v61 =	vmul.f32 v61, v61;
	v58 =	vmul.f32 v58, v58  }
0x135: {  	v7 =	vld.idx.msk [tilespmem:v46+s4+$0x0], $0xffff;
	v53 =	vsub.f32 v13, v53;
	v42 =	vmul.f32 v42, v42;
	v62 =	vmul.f32 v62, v62  }
0x136: {  	v46 =	vld.idx.msk [tilespmem:v46+s20+$0x0], $0xffff;
	v8 =	vsub.f32 v12, v8;
	v43 =	vmul.f32 v43, v43;
	v63 =	vmul.f32 v63, v63  }
0x137: {  	v4 =	vld.idx.msk [tilespmem:v49+s4+$0x0], $0xffff;
	v55 =	vsub.f32 v13, v55;
	v44 =	vmul.f32 v44, v44;
	v10 =	vmul.f32 v10, v10  }
0x138: {  	v49 =	vld.idx.msk [tilespmem:v49+s20+$0x0], $0xffff;
	v53 =	vmul.f32 v53, v53;
	v8 =	vmul.f32 v8, v8;
	v42 =	vadd.f32 v42, v61  }
0x139: {  	v56 =	vmul.f32 v56, v56;
	v57 =	vadd.f32 v58, v57;
	v43 =	vadd.f32 v43, v62  }
0x13a: {  	v44 =	vadd.f32 v44, v63;
	v62 =	vmul.f32 v55, v55;
	v10 =	vadd.f32 v53, v10  }
0x13b: {  	v55 =	vmul.f32 v54, v54;
	v0 =	vsub.f32 v12, v0;
	v45 =	vsub.f32 v13, v45  }
0x13c: {  	v58 =	vmul.f32 v59, v59;
	v7 =	vsub.f32 v12, v7;
	v46 =	vsub.f32 v13, v46  }
0x13d: {  	s5 =	sadd.s32 $0xFFFFFFFF, s18;
	v59 =	vmul.f32 v60, v60;
	v4 =	vsub.f32 v12, v4;
	v49 =	vsub.f32 v13, v49  }
0x13e: {  	v60 =	vmov s5;
	v47 =	vadd.f32 v47, v57;
	v8 =	vadd.f32 v62, v8  }
0x13f: {  	v57 =	vadd.f32 v48, v42;
	v43 =	vadd.f32 v50, v43;
	v0 =	vmul.f32 v0, v0  }
0x140: {  	v44 =	vadd.f32 v51, v44;
	v45 =	vmul.f32 v45, v45;
	v7 =	vmul.f32 v7, v7  }
0x141: {  	v10 =	vadd.f32 v58, v10;
	v46 =	vmul.f32 v46, v46;
	v4 =	vmul.f32 v4, v4  }
0x142: {  	v49 =	vmul.f32 v49, v49;
	v42 =	vnsel vm0, $0x7F800000, v47;
	v8 =	vadd.f32 v59, v8  }
0x143: {  	v61 =	vnsel vm0, $0x7F800000, v43;
	v48 =	vnsel vm0, $0x7F800000, v44;
	v0 =	vadd.f32 v45, v0  }
0x144: {  	v62 =	vnsel vm0, $0x7F800000, v10;
	v7 =	vadd.f32 v46, v7;
	v4 =	vadd.f32 v49, v4  }
0x145: {  	v45 =	vnsel vm0, $0x7F800000, v57;
	vm3 =	vlt.f32 v62, v61;
	v0 =	vadd.f32 v52, v0  }
0x146: {  	v43 =	vsel vm3, s5, v41;
	v7 =	vadd.f32 v55, v7;
	v4 =	vadd.f32 v56, v4  }
0x147: {  	p0 =	sne.s32 s18, $0x50;
	v54 =	vsel vm3, s19, v60;
	v41 =	vsel vm3, v62, v61;
	v52 =	vnsel vm0, $0x7F800000, v8  }
.Ltmp5:
0x148: {  	v0 =	vnsel vm0, $0x7F800000, v0;
	v49 =	vnsel vm0, $0x7F800000, v7;
	v51 =	vnsel vm0, $0x7F800000, v4;
	(pc) =	sbr.rel @p0 .LBB2_5-.Ltmp5, $4  }
0x149: {  	vm2 =	vlt.f32 v0, v45;
	vm1 =	vlt.f32 v51, v48;
	vm0 =	vlt.f32 v52, v49  }
0x14a: {  	v50 =	vsel vm2, s11, v2;
	v46 =	vsel vm2, s6, v3;
	v53 =	vsel vm1, s13, v5  }
0x14b: {  	v63 =	vmovc v9;
	v47 =	vsel vm1, s7, v6;
	v56 =	vsel vm0, s18, v1;
	v55 =	vsel vm0, s10, v40  }
0x14c: {  	s17 =	smov.u32 s18;
	v9 =	vmovc v11;
	v44 =	vsel vm2, v0, v45;
	v40 =	vsel vm2, v45, v0;
	v45 =	vsel vm3, v61, v62;
	s18 =	sadd.s32 $0x9, s18  }
.Ltmp6:
0x14d: {  	_ = 	snop;
	(pc) =	sbr.rel .LBB2_6-.Ltmp6, $1  }
0x14e: {  	_ =	sdelay $0x3  }
.LBB2_9:
0x14f: {  	v14 =	vld [tilespmem:$0x1FFA0]  }
0x150: {  	v15 =	vld [tilespmem:$0x1FFB0]  }
0x151: {  	v19 =	vld [tilespmem:$0x1FFE0]  }
0x152: {  	v17 =	vld [tilespmem:$0x1FFC0]  }
0x153: {  	s1 =	simm.s32 $0x0;
	s3 =	simm.s32 $0x12200;
	s14 =	simm.s32 $0x11A00;
	v18 =	vld [tilespmem:$0x1FFD0]  }
0x154: {  	s16 =	simm.s32 $0x16A40;
	s24 =	simm.s32 $0x0;
	s25 =	simm.s32 $0x0;
	v13 =	vlaneseq.u32;
	v16 =	vimm.f32 $1.000000000e+00;
	v20 =	vld [tilespmem:$0x1FFF0]  }
.LBB2_10:
0x155: {  	v0 =	vld [tilespmem:s16+$0xFFFFFFC0];
	_ =	sdelay $0x2  }
0x156: {  	v1 =	vld [tilespmem:s3+$0x0];
	_ =	sdelay $0x1  }
0x157: {  	v2 =	vld [tilespmem:s14+$0x0];
	s5 =	simm.s32 $0x0;
	v3 =	vmul.u32 $0x1C72, v0  }
0x158: {  	s6 =	sand.u32 $0xF0, s1;
	v5 =	vadd.s32 s5, v14  }
0x159: {  	v30 =	vadd.s32 s5, v19;
	v8 =	vor.u32 s6, v13;
	v3 =	vshra.s32 v3, $0x10  }
0x15a: {  	v4 =	vadd.s32 s5, v17;
	v9 =	vadd.s32 $0xFFFFFFFC, v1;
	v6 =	vmul.u32 $0xFFFFFFF7, v3  }
0x15b: {  	v5 =	vand.u32 $0x7F80, v5;
	v4 =	vand.u32 $0x7F80, v4;
	v0 =	vadd.s32 v0, v9  }
0x15c: {  	v5 =	vor.u32 v15, v5;
	v10 =	vadd.s32 $0xFFFFFFFC, v2;
	v0 =	vadd.s32 v6, v0  }
0x15d: {  	v4 =	vor.u32 v18, v4;
	v2 =	vadd.s32 v3, v10;
	vm0 =	vgt.s32 v0, $0x0  }
0x15e: {  	s11 =	sshrl.u32 s24, $0x4;
	v1 =	vand.u32 $0x7F80, v30;
	vm1 =	vgt.s32 v2, $0x0;
	v0 =	vnsel vm0, $0x0, v0  }
0x15f: {  	s5 =	sor.u32 s9, s11;
	v1 =	vor.u32 v20, v1;
	v2 =	vnsel vm1, $0x0, v2;
	v0 =	vmin.u32 v0, $0xFF  }
0x160: {  	v11 =	vmov s5;
	v2 =	vmin.u32 v2, $0xFF;
	v0 =	vsub.s32 v0, v8  }
0x161: {  	v2 =	vsub.s32 v2, v11;
	v0 =	vcvt.s32.f32 v0  }
0x162: {  	[tilespmem:v5+s22+$0x0] =	vst.idx.msk $0xffff, v16;
	v2 =	vcvt.s32.f32 v2  }
0x163: {  	[tilespmem:v4+s22+$0x0] =	vst.idx.msk $0xffff, v0  }
0x164: {  	[tilespmem:v1+s22+$0x0] =	vst.idx.msk $0xffff, v2  }
0x165: {  	v0 =	vld [tilespmem:s16+$0xFFFFFFD0];
	_ =	sdelay $0x4  }
0x166: {  	v31 =	vmul.u32 $0x1C72, v0;
	_ =	sdelay $0x1  }
0x167: {  	v1 =	vshra.s32 v31, $0x10  }
0x168: {  	v32 =	vmul.u32 $0xFFFFFFF7, v1  }
0x169: {  	v0 =	vadd.s32 v0, v9  }
0x16a: {  	s13 =	simm.s32 $0x3;
	v0 =	vadd.s32 v32, v0  }
0x16b: {  	v33 =	vadd.s32 s13, v14;
	v1 =	vadd.s32 v1, v10;
	vm14 =	vgt.s32 v0, $0x0  }
0x16c: {  	v34 =	vadd.s32 s13, v17;
	vm15 =	vgt.s32 v1, $0x0;
	v0 =	vnsel vm14, $0x0, v0  }
0x16d: {  	v35 =	vadd.s32 s13, v19;
	v1 =	vnsel vm15, $0x0, v1;
	v0 =	vmin.u32 v0, $0xFF  }
0x16e: {  	v1 =	vmin.u32 v1, $0xFF;
	v0 =	vsub.s32 v0, v8  }
0x16f: {  	v1 =	vsub.s32 v1, v11;
	v0 =	vcvt.s32.f32 v0  }
0x170: {  	[tilespmem:v33+s22+$0x0] =	vst.idx.msk $0xffff, v16;
	v1 =	vcvt.s32.f32 v1  }
0x171: {  	[tilespmem:v34+s22+$0x0] =	vst.idx.msk $0xffff, v0  }
0x172: {  	[tilespmem:v35+s22+$0x0] =	vst.idx.msk $0xffff, v1  }
0x173: {  	v0 =	vld [tilespmem:s16+$0xFFFFFFE0];
	_ =	sdelay $0x4  }
0x174: {  	v36 =	vmul.u32 $0x1C72, v0;
	_ =	sdelay $0x1  }
0x175: {  	v1 =	vshra.s32 v36, $0x10  }
0x176: {  	v37 =	vmul.u32 $0xFFFFFFF7, v1  }
0x177: {  	v0 =	vadd.s32 v0, v9  }
0x178: {  	s17 =	simm.s32 $0x6;
	v0 =	vadd.s32 v37, v0  }
0x179: {  	v38 =	vadd.s32 s17, v14;
	v1 =	vadd.s32 v1, v10;
	vm4 =	vgt.s32 v0, $0x0  }
0x17a: {  	v39 =	vadd.s32 s17, v17;
	vm5 =	vgt.s32 v1, $0x0;
	v0 =	vnsel vm4, $0x0, v0  }
0x17b: {  	v40 =	vadd.s32 s17, v19;
	v1 =	vnsel vm5, $0x0, v1;
	v0 =	vmin.u32 v0, $0xFF  }
0x17c: {  	v1 =	vmin.u32 v1, $0xFF;
	v0 =	vsub.s32 v0, v8  }
0x17d: {  	v1 =	vsub.s32 v1, v11;
	v0 =	vcvt.s32.f32 v0  }
0x17e: {  	[tilespmem:v38+s22+$0x0] =	vst.idx.msk $0xffff, v16;
	v1 =	vcvt.s32.f32 v1  }
0x17f: {  	[tilespmem:v39+s22+$0x0] =	vst.idx.msk $0xffff, v0  }
0x180: {  	[tilespmem:v40+s22+$0x0] =	vst.idx.msk $0xffff, v1  }
0x181: {  	v0 =	vld [tilespmem:s16+$0xFFFFFFF0];
	_ =	sdelay $0x4  }
0x182: {  	v41 =	vmul.u32 $0x1C72, v0;
	_ =	sdelay $0x1  }
0x183: {  	v1 =	vshra.s32 v41, $0x10  }
0x184: {  	v42 =	vmul.u32 $0xFFFFFFF7, v1  }
0x185: {  	v0 =	vadd.s32 v0, v9  }
0x186: {  	s18 =	simm.s32 $0x9;
	v0 =	vadd.s32 v42, v0  }
0x187: {  	v43 =	vadd.s32 s18, v14;
	v1 =	vadd.s32 v1, v10;
	vm6 =	vgt.s32 v0, $0x0  }
0x188: {  	v44 =	vadd.s32 s18, v17;
	vm7 =	vgt.s32 v1, $0x0;
	v0 =	vnsel vm6, $0x0, v0  }
0x189: {  	v45 =	vadd.s32 s18, v19;
	v1 =	vnsel vm7, $0x0, v1;
	v0 =	vmin.u32 v0, $0xFF  }
0x18a: {  	v1 =	vmin.u32 v1, $0xFF;
	v0 =	vsub.s32 v0, v8  }
0x18b: {  	v1 =	vsub.s32 v1, v11;
	v0 =	vcvt.s32.f32 v0  }
0x18c: {  	[tilespmem:v43+s22+$0x0] =	vst.idx.msk $0xffff, v16;
	v1 =	vcvt.s32.f32 v1  }
0x18d: {  	[tilespmem:v44+s22+$0x0] =	vst.idx.msk $0xffff, v0  }
0x18e: {  	[tilespmem:v45+s22+$0x0] =	vst.idx.msk $0xffff, v1  }
0x18f: {  	v0 =	vld [tilespmem:s16+$0x0];
	_ =	sdelay $0x4  }
0x190: {  	v46 =	vmul.u32 $0x1C72, v0;
	_ =	sdelay $0x1  }
0x191: {  	v1 =	vshra.s32 v46, $0x10  }
0x192: {  	v47 =	vmul.u32 $0xFFFFFFF7, v1  }
0x193: {  	v0 =	vadd.s32 v0, v9  }
0x194: {  	s19 =	simm.s32 $0xC;
	v0 =	vadd.s32 v47, v0  }
0x195: {  	v48 =	vadd.s32 s19, v14;
	v1 =	vadd.s32 v1, v10;
	vm8 =	vgt.s32 v0, $0x0  }
0x196: {  	v49 =	vadd.s32 s19, v17;
	vm9 =	vgt.s32 v1, $0x0;
	v0 =	vnsel vm8, $0x0, v0  }
0x197: {  	v50 =	vadd.s32 s19, v19;
	v1 =	vnsel vm9, $0x0, v1;
	v0 =	vmin.u32 v0, $0xFF  }
0x198: {  	v1 =	vmin.u32 v1, $0xFF;
	v0 =	vsub.s32 v0, v8  }
0x199: {  	v1 =	vsub.s32 v1, v11;
	v0 =	vcvt.s32.f32 v0  }
0x19a: {  	[tilespmem:v48+s22+$0x0] =	vst.idx.msk $0xffff, v16;
	v1 =	vcvt.s32.f32 v1  }
0x19b: {  	[tilespmem:v49+s22+$0x0] =	vst.idx.msk $0xffff, v0  }
0x19c: {  	[tilespmem:v50+s22+$0x0] =	vst.idx.msk $0xffff, v1  }
0x19d: {  	v0 =	vld [tilespmem:s16+$0x10];
	_ =	sdelay $0x4  }
0x19e: {  	v51 =	vmul.u32 $0x1C72, v0;
	_ =	sdelay $0x1  }
0x19f: {  	v1 =	vshra.s32 v51, $0x10  }
0x1a0: {  	v52 =	vmul.u32 $0xFFFFFFF7, v1  }
0x1a1: {  	v0 =	vadd.s32 v0, v9  }
0x1a2: {  	s26 =	simm.s32 $0xF;
	v0 =	vadd.s32 v52, v0  }
0x1a3: {  	v53 =	vadd.s32 s26, v14;
	v1 =	vadd.s32 v1, v10;
	vm10 =	vgt.s32 v0, $0x0  }
0x1a4: {  	v54 =	vadd.s32 s26, v17;
	vm11 =	vgt.s32 v1, $0x0;
	v0 =	vnsel vm10, $0x0, v0  }
0x1a5: {  	v55 =	vadd.s32 s26, v19;
	v1 =	vnsel vm11, $0x0, v1;
	v0 =	vmin.u32 v0, $0xFF  }
0x1a6: {  	v1 =	vmin.u32 v1, $0xFF;
	v0 =	vsub.s32 v0, v8  }
0x1a7: {  	v1 =	vsub.s32 v1, v11;
	v0 =	vcvt.s32.f32 v0  }
0x1a8: {  	[tilespmem:v53+s22+$0x0] =	vst.idx.msk $0xffff, v16;
	v1 =	vcvt.s32.f32 v1  }
0x1a9: {  	[tilespmem:v54+s22+$0x0] =	vst.idx.msk $0xffff, v0  }
0x1aa: {  	[tilespmem:v55+s22+$0x0] =	vst.idx.msk $0xffff, v1  }
0x1ab: {  	v0 =	vld [tilespmem:s16+$0x20];
	_ =	sdelay $0x4  }
0x1ac: {  	v56 =	vmul.u32 $0x1C72, v0;
	_ =	sdelay $0x1  }
0x1ad: {  	v1 =	vshra.s32 v56, $0x10  }
0x1ae: {  	v57 =	vmul.u32 $0xFFFFFFF7, v1  }
0x1af: {  	v0 =	vadd.s32 v0, v9  }
0x1b0: {  	s30 =	simm.s32 $0x12;
	v0 =	vadd.s32 v57, v0  }
0x1b1: {  	v58 =	vadd.s32 s30, v14;
	v1 =	vadd.s32 v1, v10;
	vm12 =	vgt.s32 v0, $0x0  }
0x1b2: {  	v59 =	vadd.s32 s30, v17;
	vm13 =	vgt.s32 v1, $0x0;
	v0 =	vnsel vm12, $0x0, v0  }
0x1b3: {  	v60 =	vadd.s32 s30, v19;
	v1 =	vnsel vm13, $0x0, v1;
	v0 =	vmin.u32 v0, $0xFF  }
0x1b4: {  	v1 =	vmin.u32 v1, $0xFF;
	v0 =	vsub.s32 v0, v8  }
0x1b5: {  	v1 =	vsub.s32 v1, v11;
	v0 =	vcvt.s32.f32 v0  }
0x1b6: {  	[tilespmem:v58+s22+$0x0] =	vst.idx.msk $0xffff, v16;
	v1 =	vcvt.s32.f32 v1  }
0x1b7: {  	[tilespmem:v59+s22+$0x0] =	vst.idx.msk $0xffff, v0  }
0x1b8: {  	[tilespmem:v60+s22+$0x0] =	vst.idx.msk $0xffff, v1  }
0x1b9: {  	v0 =	vld [tilespmem:s16+$0x30];
	_ =	sdelay $0x4  }
0x1ba: {  	v61 =	vmul.u32 $0x1C72, v0  }
0x1bb: {  	s31 =	simm.s32 $0x15  }
0x1bc: {  	v62 =	vadd.s32 s31, v14;
	v1 =	vshra.s32 v61, $0x10  }
0x1bd: {  	v63 =	vmul.u32 $0xFFFFFFF7, v1;
	v1 =	vadd.s32 v1, v10  }
0x1be: {  	v0 =	vadd.s32 v0, v9;
	vm14 =	vgt.s32 v1, $0x0  }
0x1bf: {  	v1 =	vnsel vm14, $0x0, v1;
	v0 =	vadd.s32 v63, v0  }
0x1c0: {  	s28 =	simm.s32 $0x0;
	s29 =	smov.u32 s24;
	s6 =	simm.s32 $0x195;
	v9 =	vadd.s32 s31, v19;
	v1 =	vmin.u32 v1, $0xFF;
	vm15 =	vgt.s32 v0, $0x0  }
0x1c1: {  	s17 =	sadd.s32 $0x10, s3;
	s18 =	sadd.s32 $0x10, s14;
	s26 =	sadd.s32 $0x80, s16;
	[tilespmem:v62+s22+$0x0] =	vst.idx.msk $0xffff, v16;
	v10 =	vadd.s32 s31, v17;
	v12 =	vnsel vm15, $0x0, v0;
	v11 =	vsub.s32 v1, v11  }
.LBB2_11:
0x1c2: {  	s28 =	sadd.s32 $0x10, s28  }
0x1c3: {  	v0 =	vadd.s32 s6, v19;
	v1 =	vmin.u32 v12, $0xFF;
	s29 =	sadd.s32 $0x1, s29;
	s31 =	smov.u32 s6;
	s30 =	sadd.s32 $0x180, s6  }
0x1c4: {  	p0 =	sne.s32 s6, $0x2E95;
	v1 =	vsub.s32 v1, v8  }
0x1c5: {  	v1 =	vcvt.s32.f32 v1  }
0x1c6: {  	v2 =	vcvt.s32.f32 v11  }
0x1c7: {  	[tilespmem:v10+s22+$0x0] =	vst.idx.msk $0xffff, v1  }
0x1c8: {  	[tilespmem:v9+s22+$0x0] =	vst.idx.msk $0xffff, v2;
	v9 =	vmov v0  }
0x1c9: {  	v0 =	vld [tilespmem:s26+$0xFFFFFFC0];
	_ =	sdelay $0x1  }
0x1ca: {  	v1 =	vld [tilespmem:s17+$0x0]  }
0x1cb: {  	s5 =	sadd.s32 $0xFFFFFFEB, s31;
	v2 =	vld [tilespmem:s18+$0x0]  }
0x1cc: {  	v3 =	vadd.s32 s5, v17  }
0x1cd: {  	v5 =	vadd.s32 s5, v14;
	v3 =	vand.u32 $0x7F80, v3;
	v4 =	vmul.u32 $0x1C72, v0  }
0x1ce: {  	v6 =	vadd.s32 s5, v19;
	v5 =	vand.u32 $0x7F80, v5  }
0x1cf: {  	v5 =	vor.u32 v15, v5;
	v3 =	vor.u32 v18, v3;
	v4 =	vshra.s32 v4, $0x10  }
0x1d0: {  	s6 =	sand.u32 $0xF0, s28;
	s5 =	sshrl.u32 s29, $0x4;
	v12 =	vadd.s32 $0xFFFFFFFC, v1;
	v1 =	vand.u32 $0x7F80, v6;
	v7 =	vmul.u32 $0xFFFFFFF7, v4  }
0x1d1: {  	s5 =	sor.u32 s9, s5;
	v11 =	vadd.s32 $0xFFFFFFFC, v2;
	v0 =	vadd.s32 v0, v12;
	v1 =	vor.u32 v20, v1  }
0x1d2: {  	v8 =	vor.u32 s6, v13;
	v10 =	vmov s5;
	v0 =	vadd.s32 v7, v0  }
0x1d3: {  	v2 =	vadd.s32 v4, v11;
	vm0 =	vgt.s32 v0, $0x0  }
0x1d4: {  	vm1 =	vgt.s32 v2, $0x0;
	v0 =	vnsel vm0, $0x0, v0  }
0x1d5: {  	v2 =	vnsel vm1, $0x0, v2;
	v0 =	vmin.u32 v0, $0xFF  }
0x1d6: {  	v2 =	vmin.u32 v2, $0xFF;
	v0 =	vsub.s32 v0, v8  }
0x1d7: {  	v2 =	vsub.s32 v2, v10;
	v0 =	vcvt.s32.f32 v0  }
0x1d8: {  	v2 =	vcvt.s32.f32 v2;
	[tilespmem:v5+s22+$0x0] =	vst.idx.msk $0xffff, v16  }
0x1d9: {  	[tilespmem:v3+s22+$0x0] =	vst.idx.msk $0xffff, v0  }
0x1da: {  	[tilespmem:v1+s22+$0x0] =	vst.idx.msk $0xffff, v2  }
0x1db: {  	v0 =	vld [tilespmem:s26+$0xFFFFFFD0];
	_ =	sdelay $0x4  }
0x1dc: {  	v1 =	vmul.u32 $0x1C72, v0;
	v0 =	vadd.s32 v0, v12;
	_ =	sdelay $0x1  }
0x1dd: {  	v1 =	vshra.s32 v1, $0x10  }
0x1de: {  	v2 =	vmul.u32 $0xFFFFFFF7, v1;
	v1 =	vadd.s32 v1, v11  }
0x1df: {  	vm0 =	vgt.s32 v1, $0x0  }
0x1e0: {  	s5 =	sadd.s32 $0xFFFFFFEE, s31;
	v1 =	vnsel vm0, $0x0, v1;
	v0 =	vadd.s32 v2, v0  }
0x1e1: {  	v2 =	vadd.s32 s5, v14;
	v1 =	vmin.u32 v1, $0xFF;
	vm0 =	vgt.s32 v0, $0x0  }
0x1e2: {  	v3 =	vadd.s32 s5, v17;
	v0 =	vnsel vm0, $0x0, v0;
	v1 =	vsub.s32 v1, v10  }
0x1e3: {  	v4 =	vadd.s32 s5, v19;
	v0 =	vmin.u32 v0, $0xFF  }
0x1e4: {  	v0 =	vsub.s32 v0, v8  }
0x1e5: {  	v0 =	vcvt.s32.f32 v0  }
0x1e6: {  	v1 =	vcvt.s32.f32 v1;
	[tilespmem:v2+s22+$0x0] =	vst.idx.msk $0xffff, v16  }
0x1e7: {  	[tilespmem:v3+s22+$0x0] =	vst.idx.msk $0xffff, v0  }
0x1e8: {  	[tilespmem:v4+s22+$0x0] =	vst.idx.msk $0xffff, v1  }
0x1e9: {  	v0 =	vld [tilespmem:s26+$0xFFFFFFE0];
	_ =	sdelay $0x4  }
0x1ea: {  	v1 =	vmul.u32 $0x1C72, v0;
	v0 =	vadd.s32 v0, v12;
	_ =	sdelay $0x1  }
0x1eb: {  	v1 =	vshra.s32 v1, $0x10  }
0x1ec: {  	v2 =	vmul.u32 $0xFFFFFFF7, v1;
	v1 =	vadd.s32 v1, v11  }
0x1ed: {  	vm0 =	vgt.s32 v1, $0x0  }
0x1ee: {  	s5 =	sadd.s32 $0xFFFFFFF1, s31;
	v1 =	vnsel vm0, $0x0, v1;
	v0 =	vadd.s32 v2, v0  }
0x1ef: {  	v2 =	vadd.s32 s5, v14;
	v1 =	vmin.u32 v1, $0xFF;
	vm0 =	vgt.s32 v0, $0x0  }
0x1f0: {  	v3 =	vadd.s32 s5, v17;
	v0 =	vnsel vm0, $0x0, v0;
	v1 =	vsub.s32 v1, v10  }
0x1f1: {  	v4 =	vadd.s32 s5, v19;
	v0 =	vmin.u32 v0, $0xFF  }
0x1f2: {  	s5 =	sadd.s32 $0xFFFFFFF4, s31;
	v0 =	vsub.s32 v0, v8  }
0x1f3: {  	v5 =	vadd.s32 s5, v14;
	v0 =	vcvt.s32.f32 v0  }
0x1f4: {  	v1 =	vcvt.s32.f32 v1;
	[tilespmem:v2+s22+$0x0] =	vst.idx.msk $0xffff, v16  }
0x1f5: {  	[tilespmem:v3+s22+$0x0] =	vst.idx.msk $0xffff, v0  }
0x1f6: {  	[tilespmem:v4+s22+$0x0] =	vst.idx.msk $0xffff, v1  }
0x1f7: {  	v0 =	vld [tilespmem:s26+$0xFFFFFFF0]  }
0x1f8: {  	[tilespmem:v5+s22+$0x0] =	vst.idx.msk $0xffff, v16;
	_ =	sdelay $0x3  }
0x1f9: {  	v1 =	vmul.u32 $0x1C72, v0;
	v0 =	vadd.s32 v0, v12;
	_ =	sdelay $0x1  }
0x1fa: {  	v1 =	vshra.s32 v1, $0x10  }
0x1fb: {  	v2 =	vmul.u32 $0xFFFFFFF7, v1;
	v1 =	vadd.s32 v1, v11  }
0x1fc: {  	vm0 =	vgt.s32 v1, $0x0  }
0x1fd: {  	v1 =	vnsel vm0, $0x0, v1;
	v0 =	vadd.s32 v2, v0  }
0x1fe: {  	v1 =	vmin.u32 v1, $0xFF;
	vm0 =	vgt.s32 v0, $0x0  }
0x1ff: {  	v2 =	vadd.s32 s5, v17;
	v0 =	vnsel vm0, $0x0, v0;
	v1 =	vsub.s32 v1, v10  }
0x200: {  	v3 =	vadd.s32 s5, v19;
	v0 =	vmin.u32 v0, $0xFF  }
0x201: {  	s5 =	sadd.s32 $0xFFFFFFF7, s31;
	v0 =	vsub.s32 v0, v8  }
0x202: {  	v4 =	vadd.s32 s5, v14;
	v0 =	vcvt.s32.f32 v0  }
0x203: {  	v1 =	vcvt.s32.f32 v1  }
0x204: {  	[tilespmem:v2+s22+$0x0] =	vst.idx.msk $0xffff, v0  }
0x205: {  	[tilespmem:v3+s22+$0x0] =	vst.idx.msk $0xffff, v1  }
0x206: {  	v0 =	vld [tilespmem:s26+$0x0]  }
0x207: {  	[tilespmem:v4+s22+$0x0] =	vst.idx.msk $0xffff, v16;
	_ =	sdelay $0x3  }
0x208: {  	v1 =	vmul.u32 $0x1C72, v0;
	v0 =	vadd.s32 v0, v12;
	_ =	sdelay $0x1  }
0x209: {  	v1 =	vshra.s32 v1, $0x10  }
0x20a: {  	v2 =	vmul.u32 $0xFFFFFFF7, v1;
	v1 =	vadd.s32 v1, v11  }
0x20b: {  	vm0 =	vgt.s32 v1, $0x0  }
0x20c: {  	v1 =	vnsel vm0, $0x0, v1;
	v0 =	vadd.s32 v2, v0  }
0x20d: {  	v1 =	vmin.u32 v1, $0xFF;
	vm0 =	vgt.s32 v0, $0x0  }
0x20e: {  	v2 =	vadd.s32 s5, v17;
	v0 =	vnsel vm0, $0x0, v0;
	v1 =	vsub.s32 v1, v10  }
0x20f: {  	v3 =	vadd.s32 s5, v19;
	v0 =	vmin.u32 v0, $0xFF  }
0x210: {  	s5 =	sadd.s32 $0xFFFFFFFA, s31;
	v0 =	vsub.s32 v0, v8  }
0x211: {  	v4 =	vadd.s32 s5, v14;
	v0 =	vcvt.s32.f32 v0  }
0x212: {  	v1 =	vcvt.s32.f32 v1  }
0x213: {  	[tilespmem:v2+s22+$0x0] =	vst.idx.msk $0xffff, v0  }
0x214: {  	[tilespmem:v3+s22+$0x0] =	vst.idx.msk $0xffff, v1  }
0x215: {  	v0 =	vld [tilespmem:s26+$0x10]  }
0x216: {  	[tilespmem:v4+s22+$0x0] =	vst.idx.msk $0xffff, v16;
	_ =	sdelay $0x3  }
0x217: {  	v1 =	vmul.u32 $0x1C72, v0;
	v0 =	vadd.s32 v0, v12;
	_ =	sdelay $0x1  }
0x218: {  	v1 =	vshra.s32 v1, $0x10  }
0x219: {  	v2 =	vmul.u32 $0xFFFFFFF7, v1;
	v1 =	vadd.s32 v1, v11  }
0x21a: {  	vm0 =	vgt.s32 v1, $0x0  }
0x21b: {  	v1 =	vnsel vm0, $0x0, v1;
	v0 =	vadd.s32 v2, v0  }
0x21c: {  	v1 =	vmin.u32 v1, $0xFF;
	vm0 =	vgt.s32 v0, $0x0  }
0x21d: {  	v2 =	vadd.s32 s5, v17;
	v0 =	vnsel vm0, $0x0, v0;
	v1 =	vsub.s32 v1, v10  }
0x21e: {  	v3 =	vadd.s32 s5, v19;
	v0 =	vmin.u32 v0, $0xFF  }
0x21f: {  	s5 =	sadd.s32 $0xFFFFFFFD, s31;
	v0 =	vsub.s32 v0, v8  }
0x220: {  	v4 =	vadd.s32 s5, v14;
	v0 =	vcvt.s32.f32 v0  }
0x221: {  	v1 =	vcvt.s32.f32 v1  }
0x222: {  	[tilespmem:v2+s22+$0x0] =	vst.idx.msk $0xffff, v0  }
0x223: {  	[tilespmem:v3+s22+$0x0] =	vst.idx.msk $0xffff, v1  }
0x224: {  	v0 =	vld [tilespmem:s26+$0x20]  }
0x225: {  	[tilespmem:v4+s22+$0x0] =	vst.idx.msk $0xffff, v16;
	_ =	sdelay $0x3  }
0x226: {  	v1 =	vmul.u32 $0x1C72, v0;
	v0 =	vadd.s32 v0, v12;
	_ =	sdelay $0x1  }
0x227: {  	v1 =	vshra.s32 v1, $0x10  }
0x228: {  	v2 =	vmul.u32 $0xFFFFFFF7, v1;
	v1 =	vadd.s32 v1, v11  }
0x229: {  	vm0 =	vgt.s32 v1, $0x0  }
0x22a: {  	v1 =	vnsel vm0, $0x0, v1;
	v0 =	vadd.s32 v2, v0  }
0x22b: {  	v1 =	vmin.u32 v1, $0xFF;
	vm0 =	vgt.s32 v0, $0x0  }
0x22c: {  	v2 =	vadd.s32 s5, v17;
	v0 =	vnsel vm0, $0x0, v0;
	v1 =	vsub.s32 v1, v10  }
0x22d: {  	v3 =	vadd.s32 s5, v19;
	v0 =	vmin.u32 v0, $0xFF  }
0x22e: {  	v0 =	vsub.s32 v0, v8  }
0x22f: {  	v4 =	vadd.s32 s31, v14;
	v0 =	vcvt.s32.f32 v0  }
0x230: {  	v1 =	vcvt.s32.f32 v1  }
0x231: {  	[tilespmem:v2+s22+$0x0] =	vst.idx.msk $0xffff, v0  }
0x232: {  	[tilespmem:v3+s22+$0x0] =	vst.idx.msk $0xffff, v1  }
0x233: {  	v0 =	vld [tilespmem:s26+$0x30]  }
0x234: {  	[tilespmem:v4+s22+$0x0] =	vst.idx.msk $0xffff, v16;
	_ =	sdelay $0x3  }
0x235: {  	v1 =	vmul.u32 $0x1C72, v0;
	v0 =	vadd.s32 v0, v12;
	_ =	sdelay $0x1  }
0x236: {  	v1 =	vshra.s32 v1, $0x10  }
.Ltmp7:
0x237: {  	v2 =	vmul.u32 $0xFFFFFFF7, v1;
	v1 =	vadd.s32 v1, v11;
	(pc) =	sbr.rel @p0 .LBB2_11-.Ltmp7, $4  }
0x238: {  	vm0 =	vgt.s32 v1, $0x0  }
0x239: {  	v1 =	vnsel vm0, $0x0, v1;
	v0 =	vadd.s32 v2, v0  }
0x23a: {  	s6 =	smov.u32 s30;
	v1 =	vmin.u32 v1, $0xFF;
	vm0 =	vgt.s32 v0, $0x0  }
0x23b: {  	s17 =	sadd.s32 $0x10, s17;
	s18 =	sadd.s32 $0x10, s18;
	s26 =	sadd.s32 $0x80, s26;
	v12 =	vnsel vm0, $0x0, v0;
	v11 =	vsub.s32 v1, v10;
	v10 =	vadd.s32 s31, v17  }
0x23c: {  	v0 =	vmin.u32 v12, $0xFF  }
0x23d: {  	s5 =	sshll.u32 s25, $0x1;
	v0 =	vsub.s32 v0, v8  }
0x23e: {  	s5 =	sadd.s32 s9, s5;
	v0 =	vcvt.s32.f32 v0  }
0x23f: {  	v1 =	vcvt.s32.f32 v11;
	s25 =	sadd.s32 $0x1, s25;
	s5 =	smul.u32 $0x300, s5  }
0x240: {  	p0 =	sne.s32 s25, $0x4;
	[tilespmem:v10+s22+$0x0] =	vst.idx.msk $0xffff, v0  }
.Ltmp8:
0x241: {  	s5 =	sadd.s32 s2, s5;
	[tilespmem:v9+s22+$0x0] =	vst.idx.msk $0xffff, v1;
	(pc) =	sbr.rel @p0 .LBB2_10-.Ltmp8, $4  }
0x242: {  	[hbm4b:s5+s4] =	stream.linear.scatter [tilespmem:s22], [sflag:$0x1], $0x3000, $0x38;
	[tilespmem:$0x1DA00] =	vst v63  }
0x243: {  	_ =	swait.ge [sflag:s15], $0x3000  }
0x244: {  	s24 =	sadd.s32 $0x20, s24;
	s3 =	sadd.s32 $0x200, s3;
	[sflag:s15] =	ssyncset.done $0x0  }
0x245: {  	s14 =	sadd.s32 $0x200, s14;
	s16 =	sadd.s32 $0x1000, s16;
	[sflag:s15] =	ssyncadd.s32 $0xFFFFD000  }
0x246: {  	s23 =	sadd.s32 $0x1, s23;
	s1 =	rddreg [dreg:$0xb]  }
0x247: {  	p0 =	sne.s32 s23, s1  }
.Ltmp9:
0x248: {  	_ = 	snop;
	(pc) =	sbr.rel @p0 .LBB2_1-.Ltmp9, $1  }
0x249: {  	_ =	sdelay $0x3  }
0x24a: {  	_ =	sfence.sel $0x180000  }
0x24b: {  	[bflag:$0x0] =	sbarrier.arrive $0xFFFF  }
0x24c: {  	_ =	strace $0x90000047  }
0x24d: {  	s0 =	stileid.u32;
	[bflag:$0x2] =	sbarrier.arrive $0xFFFF  }
0x24e: {  	p0 =	sne.s32 s0, $0x0;
	s0 =	rddreg [dreg:$0x5]  }
0x24f: {  	s0 =	sadd.s32 @!p0 $0x100000, s0  }
0x250: {  	[sflag:s0] =	ssyncadd.tile.s32 @!p0 $0x1;
	_ =	shalt  }
.Lfunc_end2:
_tile_overlayer_lowered:
.L_overlay_start_2:
0x251: {  	(tag) =	ssettag $0x2  }
0x252: {  	s0 =	rddreg [dreg:$0x0];
	s2 =	stileid.u32  }
0x253: {  	s1 =	rddreg [dreg:$0x1];
	p0 =	sne.s32 s2, $0x0  }
0x254: {  	s3 =	rddreg [dreg:$0x2];
	[bflag:$0x3] =	sbarrier.arrive $0xFFFF;
	s2 =	simm.s32 @!p0 $0x1C01  }
0x255: {  	[timem:s3], [sflag:s2] =	dma.local @!p0 [hbm:s0], s1  }
0x256: {  	s0 =	simm.s32 @!p0 $0x1  }
0x257: {  	_ =	swait.ge @!p0 [sflag:s0], s1  }
0x258: {  	s1 =	ssub.s32 @!p0 $0x0, s1;
	[sflag:s0] =	ssyncset.done @!p0 $0x0  }
0x259: {  	[sflag:s0] =	ssyncadd.s32 @!p0 s1  }
0x25a: {  	[bflag:$0x3] =	sbarrier.arrive $0xFFFF  }
0x25b: {  	_ =	shalt  }

</sc_bundles>
